<compile_context>
chip_gen: v7x
topology: tpu7x:2x2x1
jax: 0.10.2.dev20260603
libtpu: 0.0.44.dev20260713+nightly
codegen_flags: <defaults>
</compile_context>

<pallas_src>
import jax
import jax.numpy as jnp
from jax import lax
from jax.experimental import pallas as pl
from jax.experimental.pallas import tpu as pltpu
from jax.experimental.pallas import tpu_sc as plsc

NC = 2
NS = 16
NW = NC * NS

B = 16384
D = 32
PACK = 128 // D
HIST = 50
BPW = B // NW
GCH = 128
NG = BPW // GCH
RCH = 64
NR = BPW // RCH

RB = 2048
GRID = B // RB


def _sc_gather_body(uidx, iidx, uhi, ihi, ul, ub, ib, eu, ei,
                    ul_o, ub_o, ib_o, ue_o, ie_o,
                    uidx_v, iidx_v, uhi_v, ihi_v,
                    ul_v, ub_v, ib_v, ue_v, ie_v, sem):
    wid = lax.axis_index("s") * NC + lax.axis_index("c")
    base = wid * BPW

    pltpu.sync_copy(uidx.at[pl.ds(base, BPW)], uidx_v)
    pltpu.sync_copy(iidx.at[pl.ds(base, BPW)], iidx_v)
    pltpu.sync_copy(uhi.at[pl.ds(base, BPW)], uhi_v)
    pltpu.sync_copy(ihi.at[pl.ds(base, BPW)], ihi_v)

    copies = []
    for j in range(NG):
        s = pl.ds(j * GCH, GCH)
        copies.append(pltpu.async_copy(ul.at[uidx_v.at[s]], ul_v.at[s], sem))
        copies.append(pltpu.async_copy(ub.at[uidx_v.at[s]], ub_v.at[s], sem))
        copies.append(pltpu.async_copy(ib.at[iidx_v.at[s]], ib_v.at[s], sem))
    for c in copies:
        c.wait()

    out = pl.ds(base, BPW)
    pltpu.sync_copy(ul_v, ul_o.at[out])
    pltpu.sync_copy(ub_v, ub_o.at[out])
    pltpu.sync_copy(ib_v, ib_o.at[out])

    for k in range(NR):
        s = pl.ds(k * RCH, RCH)
        cu = pltpu.async_copy(eu.at[uhi_v.at[s]], ue_v, sem)
        ci = pltpu.async_copy(ei.at[ihi_v.at[s]], ie_v, sem)
        cu.wait()
        ci.wait()
        o = pl.ds(base + k * RCH, RCH)
        pltpu.sync_copy(ue_v, ue_o.at[o])
        pltpu.sync_copy(ie_v, ie_o.at[o])


def _tc_row_body(par, ue, ie, ulo, ilo, r, bd_o, bl_o):
    ulov = ulo[...]
    ilov = ilo[...]
    uev = ue[...]
    iev = ie[...]
    su = jnp.zeros((RB, D), jnp.float32)
    si = jnp.zeros((RB, D), jnp.float32)
    for j in range(PACK):
        mu = (ulov == j).astype(jnp.float32)[:, None]
        mi = (ilov == j).astype(jnp.float32)[:, None]
        su = su + mu * uev[:, j * D:(j + 1) * D]
        si = si + mi * iev[:, j * D:(j + 1) * D]
    bd_o[...] = jnp.sum(jnp.abs(si - su), axis=1)

    rv = r[...]
    m = (rv > 0.0).astype(jnp.float32)
    dt = rv * m + par[0]
    pv = lax.rsqrt(dt) * m
    bl_o[...] = jnp.sum(pv, axis=1)


def _tc_combine_body(par, bd, bl, ul, ub, ib, int_o, dst_o):
    al = par[1]
    be = par[2]
    ga = par[3]
    gl = par[4]
    bdv = bd[...]
    lam = gl + jnp.clip(ul[...], 0.1, 10.0)
    act = jnp.minimum(bl[...] * lam, bdv)
    dist = bdv - act
    ival = al * dist + be * dist * dist + ga + ub[...] + ib[...]
    int_o[...] = 1.0 / (1.0 + jnp.exp(-ival))
    dst_o[...] = dist


@jax.jit
def _run(uidx, iidx, uhi, ihi, ulo, ilo, r_interval,
         eu128, ei128, ul, ub, ib, par):
    mesh = plsc.VectorSubcoreMesh(
        core_axis_name="c", subcore_axis_name="s",
        num_cores=NC, num_subcores=NS)
    sc_gather = pl.kernel(
        _sc_gather_body,
        out_type=(
            jax.ShapeDtypeStruct((B,), jnp.float32),
            jax.ShapeDtypeStruct((B,), jnp.float32),
            jax.ShapeDtypeStruct((B,), jnp.float32),
            jax.ShapeDtypeStruct((B, 128), jnp.float32),
            jax.ShapeDtypeStruct((B, 128), jnp.float32),
        ),
        mesh=mesh,
        scratch_types=[
            pltpu.VMEM((BPW,), jnp.int32),
            pltpu.VMEM((BPW,), jnp.int32),
            pltpu.VMEM((BPW,), jnp.int32),
            pltpu.VMEM((BPW,), jnp.int32),
            pltpu.VMEM((BPW,), jnp.float32),
            pltpu.VMEM((BPW,), jnp.float32),
            pltpu.VMEM((BPW,), jnp.float32),
            pltpu.VMEM((RCH, 128), jnp.float32),
            pltpu.VMEM((RCH, 128), jnp.float32),
            pltpu.SemaphoreType.DMA,
        ],
    )
    ul_g, ub_g, ib_g, ue_g, ie_g = sc_gather(
        uidx, iidx, uhi, ihi, ul, ub, ib, eu128, ei128)

    row_math = pl.pallas_call(
        _tc_row_body,
        grid=(GRID,),
        in_specs=[
            pl.BlockSpec(memory_space=pltpu.SMEM),
            pl.BlockSpec((RB, 128), lambda i: (i, 0)),
            pl.BlockSpec((RB, 128), lambda i: (i, 0)),
            pl.BlockSpec((RB,), lambda i: (i,)),
            pl.BlockSpec((RB,), lambda i: (i,)),
            pl.BlockSpec((RB, HIST), lambda i: (i, 0)),
        ],
        out_specs=(
            pl.BlockSpec((RB,), lambda i: (i,)),
            pl.BlockSpec((RB,), lambda i: (i,)),
        ),
        out_shape=(
            jax.ShapeDtypeStruct((B,), jnp.float32),
            jax.ShapeDtypeStruct((B,), jnp.float32),
        ),
    )
    bd, bl = row_math(par, ue_g, ie_g, ulo, ilo, r_interval)

    combine = pl.pallas_call(
        _tc_combine_body,
        grid=(1,),
        in_specs=[
            pl.BlockSpec(memory_space=pltpu.SMEM),
            pl.BlockSpec((B,), lambda i: (i,)),
            pl.BlockSpec((B,), lambda i: (i,)),
            pl.BlockSpec((B,), lambda i: (i,)),
            pl.BlockSpec((B,), lambda i: (i,)),
            pl.BlockSpec((B,), lambda i: (i,)),
        ],
        out_specs=(
            pl.BlockSpec((B,), lambda i: (i,)),
            pl.BlockSpec((B,), lambda i: (i,)),
        ),
        out_shape=(
            jax.ShapeDtypeStruct((B,), jnp.float32),
            jax.ShapeDtypeStruct((B,), jnp.float32),
        ),
    )
    return combine(par, bd, bl, ul_g, ub_g, ib_g)


def kernel(user_indices, item_indices, r_interval, embedding_user,
           embedding_item, user_lamb, user_bias, item_bias, global_lamb,
           alpha, beta, gamma, cutoff):
    uidx = user_indices.astype(jnp.int32)
    iidx = item_indices.astype(jnp.int32)
    uhi = uidx // PACK
    ihi = iidx // PACK
    ulo = uidx % PACK
    ilo = iidx % PACK
    cut = jnp.clip(cutoff.astype(jnp.float32), 0.1, 100.0)
    gl = jnp.clip(global_lamb.astype(jnp.float32), 0.01, 10.0)
    par = jnp.stack([cut, alpha.astype(jnp.float32),
                     beta.astype(jnp.float32), gamma.astype(jnp.float32),
                     gl])
    interest, distance = _run(
        uidx, iidx, uhi, ihi, ulo, ilo, r_interval,
        embedding_user.reshape(-1, 128), embedding_item.reshape(-1, 128),
        user_lamb.reshape(-1), user_bias.reshape(-1), item_bias.reshape(-1),
        par)
    return (interest, distance)

# --- scband reference (transcript-rebuilt; emitter-appended) ---
"""Pipeline reference for scband-ex2-vec-16810501997031 (READ-ONLY COPY).

The authoritative reference and input builder live on the scoring server;
editing this copy changes nothing except your own understanding.
"""

import jax, jax.numpy as jnp
import numpy as np

N_USERS = 1000000
N_ITEMS = 1000000
LATENT_D = 32
BATCH = 16384
HIST = 50


def setup_inputs(seed: int = 0) -> dict:
    key = jax.random.key(seed)
    ks = jax.random.split(key, 10)
    user_indices = jax.random.randint(ks[0], (BATCH,), 0, N_USERS, dtype=jnp.int64 if jax.config.jax_enable_x64 else jnp.int32)
    item_indices = jax.random.randint(ks[1], (BATCH,), 0, N_ITEMS, dtype=jnp.int64 if jax.config.jax_enable_x64 else jnp.int32)
    r_interval = jax.random.uniform(ks[2], (BATCH, HIST), dtype=jnp.float32)
    embedding_user = jax.random.normal(ks[3], (N_USERS, LATENT_D), dtype=jnp.float32)
    embedding_item = jax.random.normal(ks[4], (N_ITEMS, LATENT_D), dtype=jnp.float32)
    user_lamb = jax.random.normal(ks[5], (N_USERS, 1), dtype=jnp.float32)
    user_bias = jax.random.normal(ks[6], (N_USERS, 1), dtype=jnp.float32)
    item_bias = jax.random.normal(ks[7], (N_ITEMS, 1), dtype=jnp.float32)
    global_lamb = jnp.asarray(1.0, dtype=jnp.float32)
    alpha = jnp.asarray(1.0, dtype=jnp.float32)
    beta = jnp.asarray(-0.065, dtype=jnp.float32)
    gamma = jnp.asarray(0.5, dtype=jnp.float32)
    cutoff = jnp.asarray(3.0, dtype=jnp.float32)
    return {
        "user_indices": user_indices,
        "item_indices": item_indices,
        "r_interval": r_interval,
        "embedding_user": embedding_user,
        "embedding_item": embedding_item,
        "user_lamb": user_lamb,
        "user_bias": user_bias,
        "item_bias": item_bias,
        "global_lamb": global_lamb,
        "alpha": alpha,
        "beta": beta,
        "gamma": gamma,
        "cutoff": cutoff,
    }


def reference(user_indices, item_indices, r_interval, embedding_user, embedding_item,
              user_lamb, user_bias, item_bias, global_lamb, alpha, beta, gamma, cutoff):
    user_embeddings = jnp.take(embedding_user, user_indices, axis=0)
    item_embeddings = jnp.take(embedding_item, item_indices, axis=0)
    u_bias = jnp.take(user_bias, user_indices, axis=0)[..., 0]
    i_bias = jnp.take(item_bias, item_indices, axis=0)[..., 0]
    difference = item_embeddings - user_embeddings
    base_distance = jnp.sqrt(difference ** 2).sum(axis=1)
    mask = (r_interval > 0).astype(jnp.float32)
    delta_t = r_interval * mask
    delta_t = delta_t + jnp.clip(cutoff, 0.1, 100.0)
    decay = 0.5
    pow_values = jnp.power(delta_t, -decay) * mask
    base_level = jnp.sum(pow_values, axis=-1)
    lamb = jnp.clip(global_lamb, 0.01, 10.0) + jnp.clip(jnp.take(user_lamb, user_indices, axis=0)[..., 0], 0.1, 10.0)
    base_activation = base_level * lamb
    activation = jnp.minimum(base_activation, base_distance)
    distance = base_distance - activation
    I = alpha * distance + beta * jnp.power(distance, 2) + gamma + u_bias + i_bias
    interest = jax.nn.sigmoid(I)
    return (interest, distance)

if __name__ == "__main__":
    import jax
    _d = setup_inputs()
    print(jax.jit(kernel)(*tuple(_d.values())))

</pallas_src>

<mosaic_0001>
#map = affine_map<(d0, d1) -> (0)>
#map1 = affine_map<(d0, d1) -> (0, 0)>
module attributes {stable_mosaic.version = 14 : i64} {
  func.func @_sc_gather_body(%arg0: i32, %arg1: i32, %arg2: memref<16384xi32, #tpu.memory_space<hbm>>, %arg3: memref<16384xi32, #tpu.memory_space<hbm>>, %arg4: memref<16384xi32, #tpu.memory_space<hbm>>, %arg5: memref<16384xi32, #tpu.memory_space<hbm>>, %arg6: memref<1000000xf32, #tpu.memory_space<hbm>>, %arg7: memref<1000000xf32, #tpu.memory_space<hbm>>, %arg8: memref<1000000xf32, #tpu.memory_space<hbm>>, %arg9: memref<250000x128xf32, #tpu.memory_space<hbm>>, %arg10: memref<250000x128xf32, #tpu.memory_space<hbm>>, %arg11: memref<16384xf32, #tpu.memory_space<hbm>>, %arg12: memref<16384xf32, #tpu.memory_space<hbm>>, %arg13: memref<16384xf32, #tpu.memory_space<hbm>>, %arg14: memref<16384x128xf32, #tpu.memory_space<hbm>>, %arg15: memref<16384x128xf32, #tpu.memory_space<hbm>>, %arg16: memref<512xi32, #tpu.memory_space<vmem>>, %arg17: memref<512xi32, #tpu.memory_space<vmem>>, %arg18: memref<512xi32, #tpu.memory_space<vmem>>, %arg19: memref<512xi32, #tpu.memory_space<vmem>>, %arg20: memref<512xf32, #tpu.memory_space<vmem>>, %arg21: memref<512xf32, #tpu.memory_space<vmem>>, %arg22: memref<512xf32, #tpu.memory_space<vmem>>, %arg23: memref<64x128xf32, #tpu.memory_space<vmem>>, %arg24: memref<64x128xf32, #tpu.memory_space<vmem>>, %arg25: memref<!tpu.dma_semaphore, #tpu.memory_space<semaphore_mem>>) attributes {dimension_semantics = [#tpu.dimension_semantics<core_parallel>, #tpu.dimension_semantics<subcore_parallel>], iteration_bounds = array<i64: 2, 16>, scalar_prefetch = 0 : i64, scratch_operands = 10 : i64, tpu.core_type = #tpu.core_type<sc_vector_subcore>, window_params = [{transform_indices = #map}, {transform_indices = #map}, {transform_indices = #map}, {transform_indices = #map}, {transform_indices = #map}, {transform_indices = #map}, {transform_indices = #map}, {transform_indices = #map1}, {transform_indices = #map1}, {transform_indices = #map}, {transform_indices = #map}, {transform_indices = #map}, {transform_indices = #map1}, {transform_indices = #map1}]} {
    %mul3A = arith.constant 2 : i32
    %mul3A_0 = arith.muli %arg1, %mul3A : i32
    %add3A = arith.addi %mul3A_0, %arg0 : i32
    %mul3A_1 = arith.constant 512 : i32
    %mul3A_2 = arith.muli %add3A, %mul3A_1 : i32
    "tpu.region"() ({
      %run_scoped3A = tpu.sem_alloc : memref<!tpu.dma_semaphore, #tpu.memory_space<semaphore_mem>>
      %dma_start3A_321 = tpu.memref_slice %arg2[%mul3A_2] : memref<16384xi32, #tpu.memory_space<hbm>> -> memref<512xi32, #tpu.memory_space<hbm>>
      %dma_start3A_322 = tpu.memref_slice %arg2[%mul3A_2] : memref<16384xi32, #tpu.memory_space<hbm>> -> memref<512xi32, #tpu.memory_space<hbm>>
      tpu.enqueue_dma source(%dma_start3A_322 : memref<512xi32, #tpu.memory_space<hbm>>) target(%arg16 : memref<512xi32, #tpu.memory_space<vmem>>) target_semaphore(%run_scoped3A : memref<!tpu.dma_semaphore, #tpu.memory_space<semaphore_mem>>)
      %dma_wait3A_323 = tpu.memref_slice %arg2[%mul3A_2] : memref<16384xi32, #tpu.memory_space<hbm>> -> memref<512xi32, #tpu.memory_space<hbm>>
      %dma_wait3A_324 = tpu.memref_slice %arg2[%mul3A_2] : memref<16384xi32, #tpu.memory_space<hbm>> -> memref<512xi32, #tpu.memory_space<hbm>>
      tpu.wait_dma2 semaphore(%run_scoped3A : memref<!tpu.dma_semaphore, #tpu.memory_space<semaphore_mem>>) src(%dma_wait3A_324 : memref<512xi32, #tpu.memory_space<hbm>>) dst(%arg16 : memref<512xi32, #tpu.memory_space<vmem>>)
      tpu.yield
    }) : () -> ()
    "tpu.region"() ({
      %run_scoped3A = tpu.sem_alloc : memref<!tpu.dma_semaphore, #tpu.memory_space<semaphore_mem>>
      %dma_start3A_321 = tpu.memref_slice %arg3[%mul3A_2] : memref<16384xi32, #tpu.memory_space<hbm>> -> memref<512xi32, #tpu.memory_space<hbm>>
      %dma_start3A_322 = tpu.memref_slice %arg3[%mul3A_2] : memref<16384xi32, #tpu.memory_space<hbm>> -> memref<512xi32, #tpu.memory_space<hbm>>
      tpu.enqueue_dma source(%dma_start3A_322 : memref<512xi32, #tpu.memory_space<hbm>>) target(%arg17 : memref<512xi32, #tpu.memory_space<vmem>>) target_semaphore(%run_scoped3A : memref<!tpu.dma_semaphore, #tpu.memory_space<semaphore_mem>>)
      %dma_wait3A_323 = tpu.memref_slice %arg3[%mul3A_2] : memref<16384xi32, #tpu.memory_space<hbm>> -> memref<512xi32, #tpu.memory_space<hbm>>
      %dma_wait3A_324 = tpu.memref_slice %arg3[%mul3A_2] : memref<16384xi32, #tpu.memory_space<hbm>> -> memref<512xi32, #tpu.memory_space<hbm>>
      tpu.wait_dma2 semaphore(%run_scoped3A : memref<!tpu.dma_semaphore, #tpu.memory_space<semaphore_mem>>) src(%dma_wait3A_324 : memref<512xi32, #tpu.memory_space<hbm>>) dst(%arg17 : memref<512xi32, #tpu.memory_space<vmem>>)
      tpu.yield
    }) : () -> ()
    "tpu.region"() ({
      %run_scoped3A = tpu.sem_alloc : memref<!tpu.dma_semaphore, #tpu.memory_space<semaphore_mem>>
      %dma_start3A_321 = tpu.memref_slice %arg4[%mul3A_2] : memref<16384xi32, #tpu.memory_space<hbm>> -> memref<512xi32, #tpu.memory_space<hbm>>
      %dma_start3A_322 = tpu.memref_slice %arg4[%mul3A_2] : memref<16384xi32, #tpu.memory_space<hbm>> -> memref<512xi32, #tpu.memory_space<hbm>>
      tpu.enqueue_dma source(%dma_start3A_322 : memref<512xi32, #tpu.memory_space<hbm>>) target(%arg18 : memref<512xi32, #tpu.memory_space<vmem>>) target_semaphore(%run_scoped3A : memref<!tpu.dma_semaphore, #tpu.memory_space<semaphore_mem>>)
      %dma_wait3A_323 = tpu.memref_slice %arg4[%mul3A_2] : memref<16384xi32, #tpu.memory_space<hbm>> -> memref<512xi32, #tpu.memory_space<hbm>>
      %dma_wait3A_324 = tpu.memref_slice %arg4[%mul3A_2] : memref<16384xi32, #tpu.memory_space<hbm>> -> memref<512xi32, #tpu.memory_space<hbm>>
      tpu.wait_dma2 semaphore(%run_scoped3A : memref<!tpu.dma_semaphore, #tpu.memory_space<semaphore_mem>>) src(%dma_wait3A_324 : memref<512xi32, #tpu.memory_space<hbm>>) dst(%arg18 : memref<512xi32, #tpu.memory_space<vmem>>)
      tpu.yield
    }) : () -> ()
    "tpu.region"() ({
      %run_scoped3A = tpu.sem_alloc : memref<!tpu.dma_semaphore, #tpu.memory_space<semaphore_mem>>
      %dma_start3A_321 = tpu.memref_slice %arg5[%mul3A_2] : memref<16384xi32, #tpu.memory_space<hbm>> -> memref<512xi32, #tpu.memory_space<hbm>>
      %dma_start3A_322 = tpu.memref_slice %arg5[%mul3A_2] : memref<16384xi32, #tpu.memory_space<hbm>> -> memref<512xi32, #tpu.memory_space<hbm>>
      tpu.enqueue_dma source(%dma_start3A_322 : memref<512xi32, #tpu.memory_space<hbm>>) target(%arg19 : memref<512xi32, #tpu.memory_space<vmem>>) target_semaphore(%run_scoped3A : memref<!tpu.dma_semaphore, #tpu.memory_space<semaphore_mem>>)
      %dma_wait3A_323 = tpu.memref_slice %arg5[%mul3A_2] : memref<16384xi32, #tpu.memory_space<hbm>> -> memref<512xi32, #tpu.memory_space<hbm>>
      %dma_wait3A_324 = tpu.memref_slice %arg5[%mul3A_2] : memref<16384xi32, #tpu.memory_space<hbm>> -> memref<512xi32, #tpu.memory_space<hbm>>
      tpu.wait_dma2 semaphore(%run_scoped3A : memref<!tpu.dma_semaphore, #tpu.memory_space<semaphore_mem>>) src(%dma_wait3A_324 : memref<512xi32, #tpu.memory_space<hbm>>) dst(%arg19 : memref<512xi32, #tpu.memory_space<vmem>>)
      tpu.yield
    }) : () -> ()
    %dma_start3A = arith.constant 0 : i32
    %dma_start3A_3 = tpu.memref_slice %arg20[%dma_start3A] : memref<512xf32, #tpu.memory_space<vmem>> -> memref<128xf32, #tpu.memory_space<vmem>>
    %dma_start3A_4 = arith.constant 0 : i32
    %dma_start3A_5 = tpu.memref_slice %arg16[%dma_start3A_4] : memref<512xi32, #tpu.memory_space<vmem>> -> memref<128xi32, #tpu.memory_space<vmem>>
    %dma_start3A_6 = arith.constant 0 : i32
    %dma_start3A_7 = tpu.memref_slice %arg6[%dma_start3A_6] : memref<1000000xf32, #tpu.memory_space<hbm>> -> memref<1000000xf32, #tpu.memory_space<hbm>>
    tpu.enqueue_indirect_dma source(%dma_start3A_7 : memref<1000000xf32, #tpu.memory_space<hbm>>) target(%dma_start3A_3 : memref<128xf32, #tpu.memory_space<vmem>>) offsets(%dma_start3A_5 : memref<128xi32, #tpu.memory_space<vmem>>) semaphore(%arg25 : memref<!tpu.dma_semaphore, #tpu.memory_space<semaphore_mem>>)
    %dma_start3A_8 = arith.constant 0 : i32
    %dma_start3A_9 = tpu.memref_slice %arg21[%dma_start3A_8] : memref<512xf32, #tpu.memory_space<vmem>> -> memref<128xf32, #tpu.memory_space<vmem>>
    %dma_start3A_10 = arith.constant 0 : i32
    %dma_start3A_11 = tpu.memref_slice %arg16[%dma_start3A_10] : memref<512xi32, #tpu.memory_space<vmem>> -> memref<128xi32, #tpu.memory_space<vmem>>
    %dma_start3A_12 = arith.constant 0 : i32
    %dma_start3A_13 = tpu.memref_slice %arg7[%dma_start3A_12] : memref<1000000xf32, #tpu.memory_space<hbm>> -> memref<1000000xf32, #tpu.memory_space<hbm>>
    tpu.enqueue_indirect_dma source(%dma_start3A_13 : memref<1000000xf32, #tpu.memory_space<hbm>>) target(%dma_start3A_9 : memref<128xf32, #tpu.memory_space<vmem>>) offsets(%dma_start3A_11 : memref<128xi32, #tpu.memory_space<vmem>>) semaphore(%arg25 : memref<!tpu.dma_semaphore, #tpu.memory_space<semaphore_mem>>)
    %dma_start3A_14 = arith.constant 0 : i32
    %dma_start3A_15 = tpu.memref_slice %arg22[%dma_start3A_14] : memref<512xf32, #tpu.memory_space<vmem>> -> memref<128xf32, #tpu.memory_space<vmem>>
    %dma_start3A_16 = arith.constant 0 : i32
    %dma_start3A_17 = tpu.memref_slice %arg17[%dma_start3A_16] : memref<512xi32, #tpu.memory_space<vmem>> -> memref<128xi32, #tpu.memory_space<vmem>>
    %dma_start3A_18 = arith.constant 0 : i32
    %dma_start3A_19 = tpu.memref_slice %arg8[%dma_start3A_18] : memref<1000000xf32, #tpu.memory_space<hbm>> -> memref<1000000xf32, #tpu.memory_space<hbm>>
    tpu.enqueue_indirect_dma source(%dma_start3A_19 : memref<1000000xf32, #tpu.memory_space<hbm>>) target(%dma_start3A_15 : memref<128xf32, #tpu.memory_space<vmem>>) offsets(%dma_start3A_17 : memref<128xi32, #tpu.memory_space<vmem>>) semaphore(%arg25 : memref<!tpu.dma_semaphore, #tpu.memory_space<semaphore_mem>>)
    %dma_start3A_20 = arith.constant 128 : i32
    %dma_start3A_21 = tpu.memref_slice %arg20[%dma_start3A_20] : memref<512xf32, #tpu.memory_space<vmem>> -> memref<128xf32, #tpu.memory_space<vmem>>
    %dma_start3A_22 = arith.constant 128 : i32
    %dma_start3A_23 = tpu.memref_slice %arg16[%dma_start3A_22] : memref<512xi32, #tpu.memory_space<vmem>> -> memref<128xi32, #tpu.memory_space<vmem>>
    %dma_start3A_24 = arith.constant 0 : i32
    %dma_start3A_25 = tpu.memref_slice %arg6[%dma_start3A_24] : memref<1000000xf32, #tpu.memory_space<hbm>> -> memref<1000000xf32, #tpu.memory_space<hbm>>
    tpu.enqueue_indirect_dma source(%dma_start3A_25 : memref<1000000xf32, #tpu.memory_space<hbm>>) target(%dma_start3A_21 : memref<128xf32, #tpu.memory_space<vmem>>) offsets(%dma_start3A_23 : memref<128xi32, #tpu.memory_space<vmem>>) semaphore(%arg25 : memref<!tpu.dma_semaphore, #tpu.memory_space<semaphore_mem>>)
    %dma_start3A_26 = arith.constant 128 : i32
    %dma_start3A_27 = tpu.memref_slice %arg21[%dma_start3A_26] : memref<512xf32, #tpu.memory_space<vmem>> -> memref<128xf32, #tpu.memory_space<vmem>>
    %dma_start3A_28 = arith.constant 128 : i32
    %dma_start3A_29 = tpu.memref_slice %arg16[%dma_start3A_28] : memref<512xi32, #tpu.memory_space<vmem>> -> memref<128xi32, #tpu.memory_space<vmem>>
    %dma_start3A_30 = arith.constant 0 : i32
    %dma_start3A_31 = tpu.memref_slice %arg7[%dma_start3A_30] : memref<1000000xf32, #tpu.memory_space<hbm>> -> memref<1000000xf32, #tpu.memory_space<hbm>>
    tpu.enqueue_indirect_dma source(%dma_start3A_31 : memref<1000000xf32, #tpu.memory_space<hbm>>) target(%dma_start3A_27 : memref<128xf32, #tpu.memory_space<vmem>>) offsets(%dma_start3A_29 : memref<128xi32, #tpu.memory_space<vmem>>) semaphore(%arg25 : memref<!tpu.dma_semaphore, #tpu.memory_space<semaphore_mem>>)
    %dma_start3A_32 = arith.constant 128 : i32
    %dma_start3A_33 = tpu.memref_slice %arg22[%dma_start3A_32] : memref<512xf32, #tpu.memory_space<vmem>> -> memref<128xf32, #tpu.memory_space<vmem>>
    %dma_start3A_34 = arith.constant 128 : i32
    %dma_start3A_35 = tpu.memref_slice %arg17[%dma_start3A_34] : memref<512xi32, #tpu.memory_space<vmem>> -> memref<128xi32, #tpu.memory_space<vmem>>
    %dma_start3A_36 = arith.constant 0 : i32
    %dma_start3A_37 = tpu.memref_slice %arg8[%dma_start3A_36] : memref<1000000xf32, #tpu.memory_space<hbm>> -> memref<1000000xf32, #tpu.memory_space<hbm>>
    tpu.enqueue_indirect_dma source(%dma_start3A_37 : memref<1000000xf32, #tpu.memory_space<hbm>>) target(%dma_start3A_33 : memref<128xf32, #tpu.memory_space<vmem>>) offsets(%dma_start3A_35 : memref<128xi32, #tpu.memory_space<vmem>>) semaphore(%arg25 : memref<!tpu.dma_semaphore, #tpu.memory_space<semaphore_mem>>)
    %dma_start3A_38 = arith.constant 256 : i32
    %dma_start3A_39 = tpu.memref_slice %arg20[%dma_start3A_38] : memref<512xf32, #tpu.memory_space<vmem>> -> memref<128xf32, #tpu.memory_space<vmem>>
    %dma_start3A_40 = arith.constant 256 : i32
    %dma_start3A_41 = tpu.memref_slice %arg16[%dma_start3A_40] : memref<512xi32, #tpu.memory_space<vmem>> -> memref<128xi32, #tpu.memory_space<vmem>>
    %dma_start3A_42 = arith.constant 0 : i32
    %dma_start3A_43 = tpu.memref_slice %arg6[%dma_start3A_42] : memref<1000000xf32, #tpu.memory_space<hbm>> -> memref<1000000xf32, #tpu.memory_space<hbm>>
    tpu.enqueue_indirect_dma source(%dma_start3A_43 : memref<1000000xf32, #tpu.memory_space<hbm>>) target(%dma_start3A_39 : memref<128xf32, #tpu.memory_space<vmem>>) offsets(%dma_start3A_41 : memref<128xi32, #tpu.memory_space<vmem>>) semaphore(%arg25 : memref<!tpu.dma_semaphore, #tpu.memory_space<semaphore_mem>>)
    %dma_start3A_44 = arith.constant 256 : i32
    %dma_start3A_45 = tpu.memref_slice %arg21[%dma_start3A_44] : memref<512xf32, #tpu.memory_space<vmem>> -> memref<128xf32, #tpu.memory_space<vmem>>
    %dma_start3A_46 = arith.constant 256 : i32
    %dma_start3A_47 = tpu.memref_slice %arg16[%dma_start3A_46] : memref<512xi32, #tpu.memory_space<vmem>> -> memref<128xi32, #tpu.memory_space<vmem>>
    %dma_start3A_48 = arith.constant 0 : i32
    %dma_start3A_49 = tpu.memref_slice %arg7[%dma_start3A_48] : memref<1000000xf32, #tpu.memory_space<hbm>> -> memref<1000000xf32, #tpu.memory_space<hbm>>
    tpu.enqueue_indirect_dma source(%dma_start3A_49 : memref<1000000xf32, #tpu.memory_space<hbm>>) target(%dma_start3A_45 : memref<128xf32, #tpu.memory_space<vmem>>) offsets(%dma_start3A_47 : memref<128xi32, #tpu.memory_space<vmem>>) semaphore(%arg25 : memref<!tpu.dma_semaphore, #tpu.memory_space<semaphore_mem>>)
    %dma_start3A_50 = arith.constant 256 : i32
    %dma_start3A_51 = tpu.memref_slice %arg22[%dma_start3A_50] : memref<512xf32, #tpu.memory_space<vmem>> -> memref<128xf32, #tpu.memory_space<vmem>>
    %dma_start3A_52 = arith.constant 256 : i32
    %dma_start3A_53 = tpu.memref_slice %arg17[%dma_start3A_52] : memref<512xi32, #tpu.memory_space<vmem>> -> memref<128xi32, #tpu.memory_space<vmem>>
    %dma_start3A_54 = arith.constant 0 : i32
    %dma_start3A_55 = tpu.memref_slice %arg8[%dma_start3A_54] : memref<1000000xf32, #tpu.memory_space<hbm>> -> memref<1000000xf32, #tpu.memory_space<hbm>>
    tpu.enqueue_indirect_dma source(%dma_start3A_55 : memref<1000000xf32, #tpu.memory_space<hbm>>) target(%dma_start3A_51 : memref<128xf32, #tpu.memory_space<vmem>>) offsets(%dma_start3A_53 : memref<128xi32, #tpu.memory_space<vmem>>) semaphore(%arg25 : memref<!tpu.dma_semaphore, #tpu.memory_space<semaphore_mem>>)
    %dma_start3A_56 = arith.constant 384 : i32
    %dma_start3A_57 = tpu.memref_slice %arg20[%dma_start3A_56] : memref<512xf32, #tpu.memory_space<vmem>> -> memref<128xf32, #tpu.memory_space<vmem>>
    %dma_start3A_58 = arith.constant 384 : i32
    %dma_start3A_59 = tpu.memref_slice %arg16[%dma_start3A_58] : memref<512xi32, #tpu.memory_space<vmem>> -> memref<128xi32, #tpu.memory_space<vmem>>
    %dma_start3A_60 = arith.constant 0 : i32
    %dma_start3A_61 = tpu.memref_slice %arg6[%dma_start3A_60] : memref<1000000xf32, #tpu.memory_space<hbm>> -> memref<1000000xf32, #tpu.memory_space<hbm>>
    tpu.enqueue_indirect_dma source(%dma_start3A_61 : memref<1000000xf32, #tpu.memory_space<hbm>>) target(%dma_start3A_57 : memref<128xf32, #tpu.memory_space<vmem>>) offsets(%dma_start3A_59 : memref<128xi32, #tpu.memory_space<vmem>>) semaphore(%arg25 : memref<!tpu.dma_semaphore, #tpu.memory_space<semaphore_mem>>)
    %dma_start3A_62 = arith.constant 384 : i32
    %dma_start3A_63 = tpu.memref_slice %arg21[%dma_start3A_62] : memref<512xf32, #tpu.memory_space<vmem>> -> memref<128xf32, #tpu.memory_space<vmem>>
    %dma_start3A_64 = arith.constant 384 : i32
    %dma_start3A_65 = tpu.memref_slice %arg16[%dma_start3A_64] : memref<512xi32, #tpu.memory_space<vmem>> -> memref<128xi32, #tpu.memory_space<vmem>>
    %dma_start3A_66 = arith.constant 0 : i32
    %dma_start3A_67 = tpu.memref_slice %arg7[%dma_start3A_66] : memref<1000000xf32, #tpu.memory_space<hbm>> -> memref<1000000xf32, #tpu.memory_space<hbm>>
    tpu.enqueue_indirect_dma source(%dma_start3A_67 : memref<1000000xf32, #tpu.memory_space<hbm>>) target(%dma_start3A_63 : memref<128xf32, #tpu.memory_space<vmem>>) offsets(%dma_start3A_65 : memref<128xi32, #tpu.memory_space<vmem>>) semaphore(%arg25 : memref<!tpu.dma_semaphore, #tpu.memory_space<semaphore_mem>>)
    %dma_start3A_68 = arith.constant 384 : i32
    %dma_start3A_69 = tpu.memref_slice %arg22[%dma_start3A_68] : memref<512xf32, #tpu.memory_space<vmem>> -> memref<128xf32, #tpu.memory_space<vmem>>
    %dma_start3A_70 = arith.constant 384 : i32
    %dma_start3A_71 = tpu.memref_slice %arg17[%dma_start3A_70] : memref<512xi32, #tpu.memory_space<vmem>> -> memref<128xi32, #tpu.memory_space<vmem>>
    %dma_start3A_72 = arith.constant 0 : i32
    %dma_start3A_73 = tpu.memref_slice %arg8[%dma_start3A_72] : memref<1000000xf32, #tpu.memory_space<hbm>> -> memref<1000000xf32, #tpu.memory_space<hbm>>
    tpu.enqueue_indirect_dma source(%dma_start3A_73 : memref<1000000xf32, #tpu.memory_space<hbm>>) target(%dma_start3A_69 : memref<128xf32, #tpu.memory_space<vmem>>) offsets(%dma_start3A_71 : memref<128xi32, #tpu.memory_space<vmem>>) semaphore(%arg25 : memref<!tpu.dma_semaphore, #tpu.memory_space<semaphore_mem>>)
    %dma_wait3A = arith.constant 0 : i32
    %dma_wait3A_74 = tpu.memref_slice %arg20[%dma_wait3A] : memref<512xf32, #tpu.memory_space<vmem>> -> memref<128xf32, #tpu.memory_space<vmem>>
    %dma_wait3A_75 = arith.constant 0 : i32
    %dma_wait3A_76 = tpu.memref_slice %arg16[%dma_wait3A_75] : memref<512xi32, #tpu.memory_space<vmem>> -> memref<128xi32, #tpu.memory_space<vmem>>
    %dma_wait3A_77 = arith.constant 0 : i32
    %dma_wait3A_78 = tpu.memref_slice %arg6[%dma_wait3A_77] : memref<1000000xf32, #tpu.memory_space<hbm>> -> memref<1000000xf32, #tpu.memory_space<hbm>>
    tpu.wait_indirect_dma semaphore(%arg25 : memref<!tpu.dma_semaphore, #tpu.memory_space<semaphore_mem>>) src(%dma_wait3A_78 : memref<1000000xf32, #tpu.memory_space<hbm>>) dst(%dma_wait3A_74 : memref<128xf32, #tpu.memory_space<vmem>>)
    %dma_wait3A_79 = arith.constant 0 : i32
    %dma_wait3A_80 = tpu.memref_slice %arg21[%dma_wait3A_79] : memref<512xf32, #tpu.memory_space<vmem>> -> memref<128xf32, #tpu.memory_space<vmem>>
    %dma_wait3A_81 = arith.constant 0 : i32
    %dma_wait3A_82 = tpu.memref_slice %arg16[%dma_wait3A_81] : memref<512xi32, #tpu.memory_space<vmem>> -> memref<128xi32, #tpu.memory_space<vmem>>
    %dma_wait3A_83 = arith.constant 0 : i32
    %dma_wait3A_84 = tpu.memref_slice %arg7[%dma_wait3A_83] : memref<1000000xf32, #tpu.memory_space<hbm>> -> memref<1000000xf32, #tpu.memory_space<hbm>>
    tpu.wait_indirect_dma semaphore(%arg25 : memref<!tpu.dma_semaphore, #tpu.memory_space<semaphore_mem>>) src(%dma_wait3A_84 : memref<1000000xf32, #tpu.memory_space<hbm>>) dst(%dma_wait3A_80 : memref<128xf32, #tpu.memory_space<vmem>>)
    %dma_wait3A_85 = arith.constant 0 : i32
    %dma_wait3A_86 = tpu.memref_slice %arg22[%dma_wait3A_85] : memref<512xf32, #tpu.memory_space<vmem>> -> memref<128xf32, #tpu.memory_space<vmem>>
    %dma_wait3A_87 = arith.constant 0 : i32
    %dma_wait3A_88 = tpu.memref_slice %arg17[%dma_wait3A_87] : memref<512xi32, #tpu.memory_space<vmem>> -> memref<128xi32, #tpu.memory_space<vmem>>
    %dma_wait3A_89 = arith.constant 0 : i32
    %dma_wait3A_90 = tpu.memref_slice %arg8[%dma_wait3A_89] : memref<1000000xf32, #tpu.memory_space<hbm>> -> memref<1000000xf32, #tpu.memory_space<hbm>>
    tpu.wait_indirect_dma semaphore(%arg25 : memref<!tpu.dma_semaphore, #tpu.memory_space<semaphore_mem>>) src(%dma_wait3A_90 : memref<1000000xf32, #tpu.memory_space<hbm>>) dst(%dma_wait3A_86 : memref<128xf32, #tpu.memory_space<vmem>>)
    %dma_wait3A_91 = arith.constant 128 : i32
    %dma_wait3A_92 = tpu.memref_slice %arg20[%dma_wait3A_91] : memref<512xf32, #tpu.memory_space<vmem>> -> memref<128xf32, #tpu.memory_space<vmem>>
    %dma_wait3A_93 = arith.constant 128 : i32
    %dma_wait3A_94 = tpu.memref_slice %arg16[%dma_wait3A_93] : memref<512xi32, #tpu.memory_space<vmem>> -> memref<128xi32, #tpu.memory_space<vmem>>
    %dma_wait3A_95 = arith.constant 0 : i32
    %dma_wait3A_96 = tpu.memref_slice %arg6[%dma_wait3A_95] : memref<1000000xf32, #tpu.memory_space<hbm>> -> memref<1000000xf32, #tpu.memory_space<hbm>>
    tpu.wait_indirect_dma semaphore(%arg25 : memref<!tpu.dma_semaphore, #tpu.memory_space<semaphore_mem>>) src(%dma_wait3A_96 : memref<1000000xf32, #tpu.memory_space<hbm>>) dst(%dma_wait3A_92 : memref<128xf32, #tpu.memory_space<vmem>>)
    %dma_wait3A_97 = arith.constant 128 : i32
    %dma_wait3A_98 = tpu.memref_slice %arg21[%dma_wait3A_97] : memref<512xf32, #tpu.memory_space<vmem>> -> memref<128xf32, #tpu.memory_space<vmem>>
    %dma_wait3A_99 = arith.constant 128 : i32
    %dma_wait3A_100 = tpu.memref_slice %arg16[%dma_wait3A_99] : memref<512xi32, #tpu.memory_space<vmem>> -> memref<128xi32, #tpu.memory_space<vmem>>
    %dma_wait3A_101 = arith.constant 0 : i32
    %dma_wait3A_102 = tpu.memref_slice %arg7[%dma_wait3A_101] : memref<1000000xf32, #tpu.memory_space<hbm>> -> memref<1000000xf32, #tpu.memory_space<hbm>>
    tpu.wait_indirect_dma semaphore(%arg25 : memref<!tpu.dma_semaphore, #tpu.memory_space<semaphore_mem>>) src(%dma_wait3A_102 : memref<1000000xf32, #tpu.memory_space<hbm>>) dst(%dma_wait3A_98 : memref<128xf32, #tpu.memory_space<vmem>>)
    %dma_wait3A_103 = arith.constant 128 : i32
    %dma_wait3A_104 = tpu.memref_slice %arg22[%dma_wait3A_103] : memref<512xf32, #tpu.memory_space<vmem>> -> memref<128xf32, #tpu.memory_space<vmem>>
    %dma_wait3A_105 = arith.constant 128 : i32
    %dma_wait3A_106 = tpu.memref_slice %arg17[%dma_wait3A_105] : memref<512xi32, #tpu.memory_space<vmem>> -> memref<128xi32, #tpu.memory_space<vmem>>
    %dma_wait3A_107 = arith.constant 0 : i32
    %dma_wait3A_108 = tpu.memref_slice %arg8[%dma_wait3A_107] : memref<1000000xf32, #tpu.memory_space<hbm>> -> memref<1000000xf32, #tpu.memory_space<hbm>>
    tpu.wait_indirect_dma semaphore(%arg25 : memref<!tpu.dma_semaphore, #tpu.memory_space<semaphore_mem>>) src(%dma_wait3A_108 : memref<1000000xf32, #tpu.memory_space<hbm>>) dst(%dma_wait3A_104 : memref<128xf32, #tpu.memory_space<vmem>>)
    %dma_wait3A_109 = arith.constant 256 : i32
    %dma_wait3A_110 = tpu.memref_slice %arg20[%dma_wait3A_109] : memref<512xf32, #tpu.memory_space<vmem>> -> memref<128xf32, #tpu.memory_space<vmem>>
    %dma_wait3A_111 = arith.constant 256 : i32
    %dma_wait3A_112 = tpu.memref_slice %arg16[%dma_wait3A_111] : memref<512xi32, #tpu.memory_space<vmem>> -> memref<128xi32, #tpu.memory_space<vmem>>
    %dma_wait3A_113 = arith.constant 0 : i32
    %dma_wait3A_114 = tpu.memref_slice %arg6[%dma_wait3A_113] : memref<1000000xf32, #tpu.memory_space<hbm>> -> memref<1000000xf32, #tpu.memory_space<hbm>>
    tpu.wait_indirect_dma semaphore(%arg25 : memref<!tpu.dma_semaphore, #tpu.memory_space<semaphore_mem>>) src(%dma_wait3A_114 : memref<1000000xf32, #tpu.memory_space<hbm>>) dst(%dma_wait3A_110 : memref<128xf32, #tpu.memory_space<vmem>>)
    %dma_wait3A_115 = arith.constant 256 : i32
    %dma_wait3A_116 = tpu.memref_slice %arg21[%dma_wait3A_115] : memref<512xf32, #tpu.memory_space<vmem>> -> memref<128xf32, #tpu.memory_space<vmem>>
    %dma_wait3A_117 = arith.constant 256 : i32
    %dma_wait3A_118 = tpu.memref_slice %arg16[%dma_wait3A_117] : memref<512xi32, #tpu.memory_space<vmem>> -> memref<128xi32, #tpu.memory_space<vmem>>
    %dma_wait3A_119 = arith.constant 0 : i32
    %dma_wait3A_120 = tpu.memref_slice %arg7[%dma_wait3A_119] : memref<1000000xf32, #tpu.memory_space<hbm>> -> memref<1000000xf32, #tpu.memory_space<hbm>>
    tpu.wait_indirect_dma semaphore(%arg25 : memref<!tpu.dma_semaphore, #tpu.memory_space<semaphore_mem>>) src(%dma_wait3A_120 : memref<1000000xf32, #tpu.memory_space<hbm>>) dst(%dma_wait3A_116 : memref<128xf32, #tpu.memory_space<vmem>>)
    %dma_wait3A_121 = arith.constant 256 : i32
    %dma_wait3A_122 = tpu.memref_slice %arg22[%dma_wait3A_121] : memref<512xf32, #tpu.memory_space<vmem>> -> memref<128xf32, #tpu.memory_space<vmem>>
    %dma_wait3A_123 = arith.constant 256 : i32
    %dma_wait3A_124 = tpu.memref_slice %arg17[%dma_wait3A_123] : memref<512xi32, #tpu.memory_space<vmem>> -> memref<128xi32, #tpu.memory_space<vmem>>
    %dma_wait3A_125 = arith.constant 0 : i32
    %dma_wait3A_126 = tpu.memref_slice %arg8[%dma_wait3A_125] : memref<1000000xf32, #tpu.memory_space<hbm>> -> memref<1000000xf32, #tpu.memory_space<hbm>>
    tpu.wait_indirect_dma semaphore(%arg25 : memref<!tpu.dma_semaphore, #tpu.memory_space<semaphore_mem>>) src(%dma_wait3A_126 : memref<1000000xf32, #tpu.memory_space<hbm>>) dst(%dma_wait3A_122 : memref<128xf32, #tpu.memory_space<vmem>>)
    %dma_wait3A_127 = arith.constant 384 : i32
    %dma_wait3A_128 = tpu.memref_slice %arg20[%dma_wait3A_127] : memref<512xf32, #tpu.memory_space<vmem>> -> memref<128xf32, #tpu.memory_space<vmem>>
    %dma_wait3A_129 = arith.constant 384 : i32
    %dma_wait3A_130 = tpu.memref_slice %arg16[%dma_wait3A_129] : memref<512xi32, #tpu.memory_space<vmem>> -> memref<128xi32, #tpu.memory_space<vmem>>
    %dma_wait3A_131 = arith.constant 0 : i32
    %dma_wait3A_132 = tpu.memref_slice %arg6[%dma_wait3A_131] : memref<1000000xf32, #tpu.memory_space<hbm>> -> memref<1000000xf32, #tpu.memory_space<hbm>>
    tpu.wait_indirect_dma semaphore(%arg25 : memref<!tpu.dma_semaphore, #tpu.memory_space<semaphore_mem>>) src(%dma_wait3A_132 : memref<1000000xf32, #tpu.memory_space<hbm>>) dst(%dma_wait3A_128 : memref<128xf32, #tpu.memory_space<vmem>>)
    %dma_wait3A_133 = arith.constant 384 : i32
    %dma_wait3A_134 = tpu.memref_slice %arg21[%dma_wait3A_133] : memref<512xf32, #tpu.memory_space<vmem>> -> memref<128xf32, #tpu.memory_space<vmem>>
    %dma_wait3A_135 = arith.constant 384 : i32
    %dma_wait3A_136 = tpu.memref_slice %arg16[%dma_wait3A_135] : memref<512xi32, #tpu.memory_space<vmem>> -> memref<128xi32, #tpu.memory_space<vmem>>
    %dma_wait3A_137 = arith.constant 0 : i32
    %dma_wait3A_138 = tpu.memref_slice %arg7[%dma_wait3A_137] : memref<1000000xf32, #tpu.memory_space<hbm>> -> memref<1000000xf32, #tpu.memory_space<hbm>>
    tpu.wait_indirect_dma semaphore(%arg25 : memref<!tpu.dma_semaphore, #tpu.memory_space<semaphore_mem>>) src(%dma_wait3A_138 : memref<1000000xf32, #tpu.memory_space<hbm>>) dst(%dma_wait3A_134 : memref<128xf32, #tpu.memory_space<vmem>>)
    %dma_wait3A_139 = arith.constant 384 : i32
    %dma_wait3A_140 = tpu.memref_slice %arg22[%dma_wait3A_139] : memref<512xf32, #tpu.memory_space<vmem>> -> memref<128xf32, #tpu.memory_space<vmem>>
    %dma_wait3A_141 = arith.constant 384 : i32
    %dma_wait3A_142 = tpu.memref_slice %arg17[%dma_wait3A_141] : memref<512xi32, #tpu.memory_space<vmem>> -> memref<128xi32, #tpu.memory_space<vmem>>
    %dma_wait3A_143 = arith.constant 0 : i32
    %dma_wait3A_144 = tpu.memref_slice %arg8[%dma_wait3A_143] : memref<1000000xf32, #tpu.memory_space<hbm>> -> memref<1000000xf32, #tpu.memory_space<hbm>>
    tpu.wait_indirect_dma semaphore(%arg25 : memref<!tpu.dma_semaphore, #tpu.memory_space<semaphore_mem>>) src(%dma_wait3A_144 : memref<1000000xf32, #tpu.memory_space<hbm>>) dst(%dma_wait3A_140 : memref<128xf32, #tpu.memory_space<vmem>>)
    "tpu.region"() ({
      %run_scoped3A = tpu.sem_alloc : memref<!tpu.dma_semaphore, #tpu.memory_space<semaphore_mem>>
      %dma_start3A_321 = tpu.memref_slice %arg11[%mul3A_2] : memref<16384xf32, #tpu.memory_space<hbm>> -> memref<512xf32, #tpu.memory_space<hbm>>
      %dma_start3A_322 = tpu.memref_slice %arg11[%mul3A_2] : memref<16384xf32, #tpu.memory_space<hbm>> -> memref<512xf32, #tpu.memory_space<hbm>>
      tpu.enqueue_dma source(%arg20 : memref<512xf32, #tpu.memory_space<vmem>>) target(%dma_start3A_322 : memref<512xf32, #tpu.memory_space<hbm>>) target_semaphore(%run_scoped3A : memref<!tpu.dma_semaphore, #tpu.memory_space<semaphore_mem>>)
      %dma_wait3A_323 = tpu.memref_slice %arg11[%mul3A_2] : memref<16384xf32, #tpu.memory_space<hbm>> -> memref<512xf32, #tpu.memory_space<hbm>>
      %dma_wait3A_324 = tpu.memref_slice %arg11[%mul3A_2] : memref<16384xf32, #tpu.memory_space<hbm>> -> memref<512xf32, #tpu.memory_space<hbm>>
      tpu.wait_dma2 semaphore(%run_scoped3A : memref<!tpu.dma_semaphore, #tpu.memory_space<semaphore_mem>>) src(%arg20 : memref<512xf32, #tpu.memory_space<vmem>>) dst(%dma_wait3A_324 : memref<512xf32, #tpu.memory_space<hbm>>)
      tpu.yield
    }) : () -> ()
    "tpu.region"() ({
      %run_scoped3A = tpu.sem_alloc : memref<!tpu.dma_semaphore, #tpu.memory_space<semaphore_mem>>
      %dma_start3A_321 = tpu.memref_slice %arg12[%mul3A_2] : memref<16384xf32, #tpu.memory_space<hbm>> -> memref<512xf32, #tpu.memory_space<hbm>>
      %dma_start3A_322 = tpu.memref_slice %arg12[%mul3A_2] : memref<16384xf32, #tpu.memory_space<hbm>> -> memref<512xf32, #tpu.memory_space<hbm>>
      tpu.enqueue_dma source(%arg21 : memref<512xf32, #tpu.memory_space<vmem>>) target(%dma_start3A_322 : memref<512xf32, #tpu.memory_space<hbm>>) target_semaphore(%run_scoped3A : memref<!tpu.dma_semaphore, #tpu.memory_space<semaphore_mem>>)
      %dma_wait3A_323 = tpu.memref_slice %arg12[%mul3A_2] : memref<16384xf32, #tpu.memory_space<hbm>> -> memref<512xf32, #tpu.memory_space<hbm>>
      %dma_wait3A_324 = tpu.memref_slice %arg12[%mul3A_2] : memref<16384xf32, #tpu.memory_space<hbm>> -> memref<512xf32, #tpu.memory_space<hbm>>
      tpu.wait_dma2 semaphore(%run_scoped3A : memref<!tpu.dma_semaphore, #tpu.memory_space<semaphore_mem>>) src(%arg21 : memref<512xf32, #tpu.memory_space<vmem>>) dst(%dma_wait3A_324 : memref<512xf32, #tpu.memory_space<hbm>>)
      tpu.yield
    }) : () -> ()
    "tpu.region"() ({
      %run_scoped3A = tpu.sem_alloc : memref<!tpu.dma_semaphore, #tpu.memory_space<semaphore_mem>>
      %dma_start3A_321 = tpu.memref_slice %arg13[%mul3A_2] : memref<16384xf32, #tpu.memory_space<hbm>> -> memref<512xf32, #tpu.memory_space<hbm>>
      %dma_start3A_322 = tpu.memref_slice %arg13[%mul3A_2] : memref<16384xf32, #tpu.memory_space<hbm>> -> memref<512xf32, #tpu.memory_space<hbm>>
      tpu.enqueue_dma source(%arg22 : memref<512xf32, #tpu.memory_space<vmem>>) target(%dma_start3A_322 : memref<512xf32, #tpu.memory_space<hbm>>) target_semaphore(%run_scoped3A : memref<!tpu.dma_semaphore, #tpu.memory_space<semaphore_mem>>)
      %dma_wait3A_323 = tpu.memref_slice %arg13[%mul3A_2] : memref<16384xf32, #tpu.memory_space<hbm>> -> memref<512xf32, #tpu.memory_space<hbm>>
      %dma_wait3A_324 = tpu.memref_slice %arg13[%mul3A_2] : memref<16384xf32, #tpu.memory_space<hbm>> -> memref<512xf32, #tpu.memory_space<hbm>>
      tpu.wait_dma2 semaphore(%run_scoped3A : memref<!tpu.dma_semaphore, #tpu.memory_space<semaphore_mem>>) src(%arg22 : memref<512xf32, #tpu.memory_space<vmem>>) dst(%dma_wait3A_324 : memref<512xf32, #tpu.memory_space<hbm>>)
      tpu.yield
    }) : () -> ()
    %dma_start3A_145 = arith.constant 0 : i32
    %dma_start3A_146 = tpu.memref_slice %arg18[%dma_start3A_145] : memref<512xi32, #tpu.memory_space<vmem>> -> memref<64xi32, #tpu.memory_space<vmem>>
    %dma_start3A_147 = arith.constant 0 : i32
    %dma_start3A_148 = arith.constant 0 : i32
    %dma_start3A_149 = tpu.memref_slice %arg9[%dma_start3A_147, %dma_start3A_148] : memref<250000x128xf32, #tpu.memory_space<hbm>> -> memref<250000x128xf32, #tpu.memory_space<hbm>>
    tpu.enqueue_indirect_dma source(%dma_start3A_149 : memref<250000x128xf32, #tpu.memory_space<hbm>>) target(%arg23 : memref<64x128xf32, #tpu.memory_space<vmem>>) offsets(%dma_start3A_146 : memref<64xi32, #tpu.memory_space<vmem>>) semaphore(%arg25 : memref<!tpu.dma_semaphore, #tpu.memory_space<semaphore_mem>>)
    %dma_start3A_150 = arith.constant 0 : i32
    %dma_start3A_151 = tpu.memref_slice %arg19[%dma_start3A_150] : memref<512xi32, #tpu.memory_space<vmem>> -> memref<64xi32, #tpu.memory_space<vmem>>
    %dma_start3A_152 = arith.constant 0 : i32
    %dma_start3A_153 = arith.constant 0 : i32
    %dma_start3A_154 = tpu.memref_slice %arg10[%dma_start3A_152, %dma_start3A_153] : memref<250000x128xf32, #tpu.memory_space<hbm>> -> memref<250000x128xf32, #tpu.memory_space<hbm>>
    tpu.enqueue_indirect_dma source(%dma_start3A_154 : memref<250000x128xf32, #tpu.memory_space<hbm>>) target(%arg24 : memref<64x128xf32, #tpu.memory_space<vmem>>) offsets(%dma_start3A_151 : memref<64xi32, #tpu.memory_space<vmem>>) semaphore(%arg25 : memref<!tpu.dma_semaphore, #tpu.memory_space<semaphore_mem>>)
    %dma_wait3A_155 = arith.constant 0 : i32
    %dma_wait3A_156 = tpu.memref_slice %arg18[%dma_wait3A_155] : memref<512xi32, #tpu.memory_space<vmem>> -> memref<64xi32, #tpu.memory_space<vmem>>
    %dma_wait3A_157 = arith.constant 0 : i32
    %dma_wait3A_158 = arith.constant 0 : i32
    %dma_wait3A_159 = tpu.memref_slice %arg9[%dma_wait3A_157, %dma_wait3A_158] : memref<250000x128xf32, #tpu.memory_space<hbm>> -> memref<250000x128xf32, #tpu.memory_space<hbm>>
    tpu.wait_indirect_dma semaphore(%arg25 : memref<!tpu.dma_semaphore, #tpu.memory_space<semaphore_mem>>) src(%dma_wait3A_159 : memref<250000x128xf32, #tpu.memory_space<hbm>>) dst(%arg23 : memref<64x128xf32, #tpu.memory_space<vmem>>)
    %dma_wait3A_160 = arith.constant 0 : i32
    %dma_wait3A_161 = tpu.memref_slice %arg19[%dma_wait3A_160] : memref<512xi32, #tpu.memory_space<vmem>> -> memref<64xi32, #tpu.memory_space<vmem>>
    %dma_wait3A_162 = arith.constant 0 : i32
    %dma_wait3A_163 = arith.constant 0 : i32
    %dma_wait3A_164 = tpu.memref_slice %arg10[%dma_wait3A_162, %dma_wait3A_163] : memref<250000x128xf32, #tpu.memory_space<hbm>> -> memref<250000x128xf32, #tpu.memory_space<hbm>>
    tpu.wait_indirect_dma semaphore(%arg25 : memref<!tpu.dma_semaphore, #tpu.memory_space<semaphore_mem>>) src(%dma_wait3A_164 : memref<250000x128xf32, #tpu.memory_space<hbm>>) dst(%arg24 : memref<64x128xf32, #tpu.memory_space<vmem>>)
    %add3A_165 = arith.constant 0 : i32
    %add3A_166 = arith.addi %mul3A_2, %add3A_165 : i32
    "tpu.region"() ({
      %run_scoped3A = tpu.sem_alloc : memref<!tpu.dma_semaphore, #tpu.memory_space<semaphore_mem>>
      %dma_start3A_321 = arith.constant 0 : i32
      %dma_start3A_322 = tpu.memref_slice %arg14[%add3A_166, %dma_start3A_321] : memref<16384x128xf32, #tpu.memory_space<hbm>> -> memref<64x128xf32, #tpu.memory_space<hbm>>
      %dma_start3A_323 = arith.constant 0 : i32
      %dma_start3A_324 = tpu.memref_slice %arg14[%add3A_166, %dma_start3A_323] : memref<16384x128xf32, #tpu.memory_space<hbm>> -> memref<64x128xf32, #tpu.memory_space<hbm>>
      tpu.enqueue_dma source(%arg23 : memref<64x128xf32, #tpu.memory_space<vmem>>) target(%dma_start3A_324 : memref<64x128xf32, #tpu.memory_space<hbm>>) target_semaphore(%run_scoped3A : memref<!tpu.dma_semaphore, #tpu.memory_space<semaphore_mem>>)
      %dma_wait3A_325 = arith.constant 0 : i32
      %dma_wait3A_326 = tpu.memref_slice %arg14[%add3A_166, %dma_wait3A_325] : memref<16384x128xf32, #tpu.memory_space<hbm>> -> memref<64x128xf32, #tpu.memory_space<hbm>>
      %dma_wait3A_327 = arith.constant 0 : i32
      %dma_wait3A_328 = tpu.memref_slice %arg14[%add3A_166, %dma_wait3A_327] : memref<16384x128xf32, #tpu.memory_space<hbm>> -> memref<64x128xf32, #tpu.memory_space<hbm>>
      tpu.wait_dma2 semaphore(%run_scoped3A : memref<!tpu.dma_semaphore, #tpu.memory_space<semaphore_mem>>) src(%arg23 : memref<64x128xf32, #tpu.memory_space<vmem>>) dst(%dma_wait3A_328 : memref<64x128xf32, #tpu.memory_space<hbm>>)
      tpu.yield
    }) : () -> ()
    "tpu.region"() ({
      %run_scoped3A = tpu.sem_alloc : memref<!tpu.dma_semaphore, #tpu.memory_space<semaphore_mem>>
      %dma_start3A_321 = arith.constant 0 : i32
      %dma_start3A_322 = tpu.memref_slice %arg15[%add3A_166, %dma_start3A_321] : memref<16384x128xf32, #tpu.memory_space<hbm>> -> memref<64x128xf32, #tpu.memory_space<hbm>>
      %dma_start3A_323 = arith.constant 0 : i32
      %dma_start3A_324 = tpu.memref_slice %arg15[%add3A_166, %dma_start3A_323] : memref<16384x128xf32, #tpu.memory_space<hbm>> -> memref<64x128xf32, #tpu.memory_space<hbm>>
      tpu.enqueue_dma source(%arg24 : memref<64x128xf32, #tpu.memory_space<vmem>>) target(%dma_start3A_324 : memref<64x128xf32, #tpu.memory_space<hbm>>) target_semaphore(%run_scoped3A : memref<!tpu.dma_semaphore, #tpu.memory_space<semaphore_mem>>)
      %dma_wait3A_325 = arith.constant 0 : i32
      %dma_wait3A_326 = tpu.memref_slice %arg15[%add3A_166, %dma_wait3A_325] : memref<16384x128xf32, #tpu.memory_space<hbm>> -> memref<64x128xf32, #tpu.memory_space<hbm>>
      %dma_wait3A_327 = arith.constant 0 : i32
      %dma_wait3A_328 = tpu.memref_slice %arg15[%add3A_166, %dma_wait3A_327] : memref<16384x128xf32, #tpu.memory_space<hbm>> -> memref<64x128xf32, #tpu.memory_space<hbm>>
      tpu.wait_dma2 semaphore(%run_scoped3A : memref<!tpu.dma_semaphore, #tpu.memory_space<semaphore_mem>>) src(%arg24 : memref<64x128xf32, #tpu.memory_space<vmem>>) dst(%dma_wait3A_328 : memref<64x128xf32, #tpu.memory_space<hbm>>)
      tpu.yield
    }) : () -> ()
    %dma_start3A_167 = arith.constant 64 : i32
    %dma_start3A_168 = tpu.memref_slice %arg18[%dma_start3A_167] : memref<512xi32, #tpu.memory_space<vmem>> -> memref<64xi32, #tpu.memory_space<vmem>>
    %dma_start3A_169 = arith.constant 0 : i32
    %dma_start3A_170 = arith.constant 0 : i32
    %dma_start3A_171 = tpu.memref_slice %arg9[%dma_start3A_169, %dma_start3A_170] : memref<250000x128xf32, #tpu.memory_space<hbm>> -> memref<250000x128xf32, #tpu.memory_space<hbm>>
    tpu.enqueue_indirect_dma source(%dma_start3A_171 : memref<250000x128xf32, #tpu.memory_space<hbm>>) target(%arg23 : memref<64x128xf32, #tpu.memory_space<vmem>>) offsets(%dma_start3A_168 : memref<64xi32, #tpu.memory_space<vmem>>) semaphore(%arg25 : memref<!tpu.dma_semaphore, #tpu.memory_space<semaphore_mem>>)
    %dma_start3A_172 = arith.constant 64 : i32
    %dma_start3A_173 = tpu.memref_slice %arg19[%dma_start3A_172] : memref<512xi32, #tpu.memory_space<vmem>> -> memref<64xi32, #tpu.memory_space<vmem>>
    %dma_start3A_174 = arith.constant 0 : i32
    %dma_start3A_175 = arith.constant 0 : i32
    %dma_start3A_176 = tpu.memref_slice %arg10[%dma_start3A_174, %dma_start3A_175] : memref<250000x128xf32, #tpu.memory_space<hbm>> -> memref<250000x128xf32, #tpu.memory_space<hbm>>
    tpu.enqueue_indirect_dma source(%dma_start3A_176 : memref<250000x128xf32, #tpu.memory_space<hbm>>) target(%arg24 : memref<64x128xf32, #tpu.memory_space<vmem>>) offsets(%dma_start3A_173 : memref<64xi32, #tpu.memory_space<vmem>>) semaphore(%arg25 : memref<!tpu.dma_semaphore, #tpu.memory_space<semaphore_mem>>)
    %dma_wait3A_177 = arith.constant 64 : i32
    %dma_wait3A_178 = tpu.memref_slice %arg18[%dma_wait3A_177] : memref<512xi32, #tpu.memory_space<vmem>> -> memref<64xi32, #tpu.memory_space<vmem>>
    %dma_wait3A_179 = arith.constant 0 : i32
    %dma_wait3A_180 = arith.constant 0 : i32
    %dma_wait3A_181 = tpu.memref_slice %arg9[%dma_wait3A_179, %dma_wait3A_180] : memref<250000x128xf32, #tpu.memory_space<hbm>> -> memref<250000x128xf32, #tpu.memory_space<hbm>>
    tpu.wait_indirect_dma semaphore(%arg25 : memref<!tpu.dma_semaphore, #tpu.memory_space<semaphore_mem>>) src(%dma_wait3A_181 : memref<250000x128xf32, #tpu.memory_space<hbm>>) dst(%arg23 : memref<64x128xf32, #tpu.memory_space<vmem>>)
    %dma_wait3A_182 = arith.constant 64 : i32
    %dma_wait3A_183 = tpu.memref_slice %arg19[%dma_wait3A_182] : memref<512xi32, #tpu.memory_space<vmem>> -> memref<64xi32, #tpu.memory_space<vmem>>
    %dma_wait3A_184 = arith.constant 0 : i32
    %dma_wait3A_185 = arith.constant 0 : i32
    %dma_wait3A_186 = tpu.memref_slice %arg10[%dma_wait3A_184, %dma_wait3A_185] : memref<250000x128xf32, #tpu.memory_space<hbm>> -> memref<250000x128xf32, #tpu.memory_space<hbm>>
    tpu.wait_indirect_dma semaphore(%arg25 : memref<!tpu.dma_semaphore, #tpu.memory_space<semaphore_mem>>) src(%dma_wait3A_186 : memref<250000x128xf32, #tpu.memory_space<hbm>>) dst(%arg24 : memref<64x128xf32, #tpu.memory_space<vmem>>)
    %add3A_187 = arith.constant 64 : i32
    %add3A_188 = arith.addi %mul3A_2, %add3A_187 : i32
    "tpu.region"() ({
      %run_scoped3A = tpu.sem_alloc : memref<!tpu.dma_semaphore, #tpu.memory_space<semaphore_mem>>
      %dma_start3A_321 = arith.constant 0 : i32
      %dma_start3A_322 = tpu.memref_slice %arg14[%add3A_188, %dma_start3A_321] : memref<16384x128xf32, #tpu.memory_space<hbm>> -> memref<64x128xf32, #tpu.memory_space<hbm>>
      %dma_start3A_323 = arith.constant 0 : i32
      %dma_start3A_324 = tpu.memref_slice %arg14[%add3A_188, %dma_start3A_323] : memref<16384x128xf32, #tpu.memory_space<hbm>> -> memref<64x128xf32, #tpu.memory_space<hbm>>
      tpu.enqueue_dma source(%arg23 : memref<64x128xf32, #tpu.memory_space<vmem>>) target(%dma_start3A_324 : memref<64x128xf32, #tpu.memory_space<hbm>>) target_semaphore(%run_scoped3A : memref<!tpu.dma_semaphore, #tpu.memory_space<semaphore_mem>>)
      %dma_wait3A_325 = arith.constant 0 : i32
      %dma_wait3A_326 = tpu.memref_slice %arg14[%add3A_188, %dma_wait3A_325] : memref<16384x128xf32, #tpu.memory_space<hbm>> -> memref<64x128xf32, #tpu.memory_space<hbm>>
      %dma_wait3A_327 = arith.constant 0 : i32
      %dma_wait3A_328 = tpu.memref_slice %arg14[%add3A_188, %dma_wait3A_327] : memref<16384x128xf32, #tpu.memory_space<hbm>> -> memref<64x128xf32, #tpu.memory_space<hbm>>
      tpu.wait_dma2 semaphore(%run_scoped3A : memref<!tpu.dma_semaphore, #tpu.memory_space<semaphore_mem>>) src(%arg23 : memref<64x128xf32, #tpu.memory_space<vmem>>) dst(%dma_wait3A_328 : memref<64x128xf32, #tpu.memory_space<hbm>>)
      tpu.yield
    }) : () -> ()
    "tpu.region"() ({
      %run_scoped3A = tpu.sem_alloc : memref<!tpu.dma_semaphore, #tpu.memory_space<semaphore_mem>>
      %dma_start3A_321 = arith.constant 0 : i32
      %dma_start3A_322 = tpu.memref_slice %arg15[%add3A_188, %dma_start3A_321] : memref<16384x128xf32, #tpu.memory_space<hbm>> -> memref<64x128xf32, #tpu.memory_space<hbm>>
      %dma_start3A_323 = arith.constant 0 : i32
      %dma_start3A_324 = tpu.memref_slice %arg15[%add3A_188, %dma_start3A_323] : memref<16384x128xf32, #tpu.memory_space<hbm>> -> memref<64x128xf32, #tpu.memory_space<hbm>>
      tpu.enqueue_dma source(%arg24 : memref<64x128xf32, #tpu.memory_space<vmem>>) target(%dma_start3A_324 : memref<64x128xf32, #tpu.memory_space<hbm>>) target_semaphore(%run_scoped3A : memref<!tpu.dma_semaphore, #tpu.memory_space<semaphore_mem>>)
      %dma_wait3A_325 = arith.constant 0 : i32
      %dma_wait3A_326 = tpu.memref_slice %arg15[%add3A_188, %dma_wait3A_325] : memref<16384x128xf32, #tpu.memory_space<hbm>> -> memref<64x128xf32, #tpu.memory_space<hbm>>
      %dma_wait3A_327 = arith.constant 0 : i32
      %dma_wait3A_328 = tpu.memref_slice %arg15[%add3A_188, %dma_wait3A_327] : memref<16384x128xf32, #tpu.memory_space<hbm>> -> memref<64x128xf32, #tpu.memory_space<hbm>>
      tpu.wait_dma2 semaphore(%run_scoped3A : memref<!tpu.dma_semaphore, #tpu.memory_space<semaphore_mem>>) src(%arg24 : memref<64x128xf32, #tpu.memory_space<vmem>>) dst(%dma_wait3A_328 : memref<64x128xf32, #tpu.memory_space<hbm>>)
      tpu.yield
    }) : () -> ()
    %dma_start3A_189 = arith.constant 128 : i32
    %dma_start3A_190 = tpu.memref_slice %arg18[%dma_start3A_189] : memref<512xi32, #tpu.memory_space<vmem>> -> memref<64xi32, #tpu.memory_space<vmem>>
    %dma_start3A_191 = arith.constant 0 : i32
    %dma_start3A_192 = arith.constant 0 : i32
    %dma_start3A_193 = tpu.memref_slice %arg9[%dma_start3A_191, %dma_start3A_192] : memref<250000x128xf32, #tpu.memory_space<hbm>> -> memref<250000x128xf32, #tpu.memory_space<hbm>>
    tpu.enqueue_indirect_dma source(%dma_start3A_193 : memref<250000x128xf32, #tpu.memory_space<hbm>>) target(%arg23 : memref<64x128xf32, #tpu.memory_space<vmem>>) offsets(%dma_start3A_190 : memref<64xi32, #tpu.memory_space<vmem>>) semaphore(%arg25 : memref<!tpu.dma_semaphore, #tpu.memory_space<semaphore_mem>>)
    %dma_start3A_194 = arith.constant 128 : i32
    %dma_start3A_195 = tpu.memref_slice %arg19[%dma_start3A_194] : memref<512xi32, #tpu.memory_space<vmem>> -> memref<64xi32, #tpu.memory_space<vmem>>
    %dma_start3A_196 = arith.constant 0 : i32
    %dma_start3A_197 = arith.constant 0 : i32
    %dma_start3A_198 = tpu.memref_slice %arg10[%dma_start3A_196, %dma_start3A_197] : memref<250000x128xf32, #tpu.memory_space<hbm>> -> memref<250000x128xf32, #tpu.memory_space<hbm>>
    tpu.enqueue_indirect_dma source(%dma_start3A_198 : memref<250000x128xf32, #tpu.memory_space<hbm>>) target(%arg24 : memref<64x128xf32, #tpu.memory_space<vmem>>) offsets(%dma_start3A_195 : memref<64xi32, #tpu.memory_space<vmem>>) semaphore(%arg25 : memref<!tpu.dma_semaphore, #tpu.memory_space<semaphore_mem>>)
    %dma_wait3A_199 = arith.constant 128 : i32
    %dma_wait3A_200 = tpu.memref_slice %arg18[%dma_wait3A_199] : memref<512xi32, #tpu.memory_space<vmem>> -> memref<64xi32, #tpu.memory_space<vmem>>
    %dma_wait3A_201 = arith.constant 0 : i32
    %dma_wait3A_202 = arith.constant 0 : i32
    %dma_wait3A_203 = tpu.memref_slice %arg9[%dma_wait3A_201, %dma_wait3A_202] : memref<250000x128xf32, #tpu.memory_space<hbm>> -> memref<250000x128xf32, #tpu.memory_space<hbm>>
    tpu.wait_indirect_dma semaphore(%arg25 : memref<!tpu.dma_semaphore, #tpu.memory_space<semaphore_mem>>) src(%dma_wait3A_203 : memref<250000x128xf32, #tpu.memory_space<hbm>>) dst(%arg23 : memref<64x128xf32, #tpu.memory_space<vmem>>)
    %dma_wait3A_204 = arith.constant 128 : i32
    %dma_wait3A_205 = tpu.memref_slice %arg19[%dma_wait3A_204] : memref<512xi32, #tpu.memory_space<vmem>> -> memref<64xi32, #tpu.memory_space<vmem>>
    %dma_wait3A_206 = arith.constant 0 : i32
    %dma_wait3A_207 = arith.constant 0 : i32
    %dma_wait3A_208 = tpu.memref_slice %arg10[%dma_wait3A_206, %dma_wait3A_207] : memref<250000x128xf32, #tpu.memory_space<hbm>> -> memref<250000x128xf32, #tpu.memory_space<hbm>>
    tpu.wait_indirect_dma semaphore(%arg25 : memref<!tpu.dma_semaphore, #tpu.memory_space<semaphore_mem>>) src(%dma_wait3A_208 : memref<250000x128xf32, #tpu.memory_space<hbm>>) dst(%arg24 : memref<64x128xf32, #tpu.memory_space<vmem>>)
    %add3A_209 = arith.constant 128 : i32
    %add3A_210 = arith.addi %mul3A_2, %add3A_209 : i32
    "tpu.region"() ({
      %run_scoped3A = tpu.sem_alloc : memref<!tpu.dma_semaphore, #tpu.memory_space<semaphore_mem>>
      %dma_start3A_321 = arith.constant 0 : i32
      %dma_start3A_322 = tpu.memref_slice %arg14[%add3A_210, %dma_start3A_321] : memref<16384x128xf32, #tpu.memory_space<hbm>> -> memref<64x128xf32, #tpu.memory_space<hbm>>
      %dma_start3A_323 = arith.constant 0 : i32
      %dma_start3A_324 = tpu.memref_slice %arg14[%add3A_210, %dma_start3A_323] : memref<16384x128xf32, #tpu.memory_space<hbm>> -> memref<64x128xf32, #tpu.memory_space<hbm>>
      tpu.enqueue_dma source(%arg23 : memref<64x128xf32, #tpu.memory_space<vmem>>) target(%dma_start3A_324 : memref<64x128xf32, #tpu.memory_space<hbm>>) target_semaphore(%run_scoped3A : memref<!tpu.dma_semaphore, #tpu.memory_space<semaphore_mem>>)
      %dma_wait3A_325 = arith.constant 0 : i32
      %dma_wait3A_326 = tpu.memref_slice %arg14[%add3A_210, %dma_wait3A_325] : memref<16384x128xf32, #tpu.memory_space<hbm>> -> memref<64x128xf32, #tpu.memory_space<hbm>>
      %dma_wait3A_327 = arith.constant 0 : i32
      %dma_wait3A_328 = tpu.memref_slice %arg14[%add3A_210, %dma_wait3A_327] : memref<16384x128xf32, #tpu.memory_space<hbm>> -> memref<64x128xf32, #tpu.memory_space<hbm>>
      tpu.wait_dma2 semaphore(%run_scoped3A : memref<!tpu.dma_semaphore, #tpu.memory_space<semaphore_mem>>) src(%arg23 : memref<64x128xf32, #tpu.memory_space<vmem>>) dst(%dma_wait3A_328 : memref<64x128xf32, #tpu.memory_space<hbm>>)
      tpu.yield
    }) : () -> ()
    "tpu.region"() ({
      %run_scoped3A = tpu.sem_alloc : memref<!tpu.dma_semaphore, #tpu.memory_space<semaphore_mem>>
      %dma_start3A_321 = arith.constant 0 : i32
      %dma_start3A_322 = tpu.memref_slice %arg15[%add3A_210, %dma_start3A_321] : memref<16384x128xf32, #tpu.memory_space<hbm>> -> memref<64x128xf32, #tpu.memory_space<hbm>>
      %dma_start3A_323 = arith.constant 0 : i32
      %dma_start3A_324 = tpu.memref_slice %arg15[%add3A_210, %dma_start3A_323] : memref<16384x128xf32, #tpu.memory_space<hbm>> -> memref<64x128xf32, #tpu.memory_space<hbm>>
      tpu.enqueue_dma source(%arg24 : memref<64x128xf32, #tpu.memory_space<vmem>>) target(%dma_start3A_324 : memref<64x128xf32, #tpu.memory_space<hbm>>) target_semaphore(%run_scoped3A : memref<!tpu.dma_semaphore, #tpu.memory_space<semaphore_mem>>)
      %dma_wait3A_325 = arith.constant 0 : i32
      %dma_wait3A_326 = tpu.memref_slice %arg15[%add3A_210, %dma_wait3A_325] : memref<16384x128xf32, #tpu.memory_space<hbm>> -> memref<64x128xf32, #tpu.memory_space<hbm>>
      %dma_wait3A_327 = arith.constant 0 : i32
      %dma_wait3A_328 = tpu.memref_slice %arg15[%add3A_210, %dma_wait3A_327] : memref<16384x128xf32, #tpu.memory_space<hbm>> -> memref<64x128xf32, #tpu.memory_space<hbm>>
      tpu.wait_dma2 semaphore(%run_scoped3A : memref<!tpu.dma_semaphore, #tpu.memory_space<semaphore_mem>>) src(%arg24 : memref<64x128xf32, #tpu.memory_space<vmem>>) dst(%dma_wait3A_328 : memref<64x128xf32, #tpu.memory_space<hbm>>)
      tpu.yield
    }) : () -> ()
    %dma_start3A_211 = arith.constant 192 : i32
    %dma_start3A_212 = tpu.memref_slice %arg18[%dma_start3A_211] : memref<512xi32, #tpu.memory_space<vmem>> -> memref<64xi32, #tpu.memory_space<vmem>>
    %dma_start3A_213 = arith.constant 0 : i32
    %dma_start3A_214 = arith.constant 0 : i32
    %dma_start3A_215 = tpu.memref_slice %arg9[%dma_start3A_213, %dma_start3A_214] : memref<250000x128xf32, #tpu.memory_space<hbm>> -> memref<250000x128xf32, #tpu.memory_space<hbm>>
    tpu.enqueue_indirect_dma source(%dma_start3A_215 : memref<250000x128xf32, #tpu.memory_space<hbm>>) target(%arg23 : memref<64x128xf32, #tpu.memory_space<vmem>>) offsets(%dma_start3A_212 : memref<64xi32, #tpu.memory_space<vmem>>) semaphore(%arg25 : memref<!tpu.dma_semaphore, #tpu.memory_space<semaphore_mem>>)
    %dma_start3A_216 = arith.constant 192 : i32
    %dma_start3A_217 = tpu.memref_slice %arg19[%dma_start3A_216] : memref<512xi32, #tpu.memory_space<vmem>> -> memref<64xi32, #tpu.memory_space<vmem>>
    %dma_start3A_218 = arith.constant 0 : i32
    %dma_start3A_219 = arith.constant 0 : i32
    %dma_start3A_220 = tpu.memref_slice %arg10[%dma_start3A_218, %dma_start3A_219] : memref<250000x128xf32, #tpu.memory_space<hbm>> -> memref<250000x128xf32, #tpu.memory_space<hbm>>
    tpu.enqueue_indirect_dma source(%dma_start3A_220 : memref<250000x128xf32, #tpu.memory_space<hbm>>) target(%arg24 : memref<64x128xf32, #tpu.memory_space<vmem>>) offsets(%dma_start3A_217 : memref<64xi32, #tpu.memory_space<vmem>>) semaphore(%arg25 : memref<!tpu.dma_semaphore, #tpu.memory_space<semaphore_mem>>)
    %dma_wait3A_221 = arith.constant 192 : i32
    %dma_wait3A_222 = tpu.memref_slice %arg18[%dma_wait3A_221] : memref<512xi32, #tpu.memory_space<vmem>> -> memref<64xi32, #tpu.memory_space<vmem>>
    %dma_wait3A_223 = arith.constant 0 : i32
    %dma_wait3A_224 = arith.constant 0 : i32
    %dma_wait3A_225 = tpu.memref_slice %arg9[%dma_wait3A_223, %dma_wait3A_224] : memref<250000x128xf32, #tpu.memory_space<hbm>> -> memref<250000x128xf32, #tpu.memory_space<hbm>>
    tpu.wait_indirect_dma semaphore(%arg25 : memref<!tpu.dma_semaphore, #tpu.memory_space<semaphore_mem>>) src(%dma_wait3A_225 : memref<250000x128xf32, #tpu.memory_space<hbm>>) dst(%arg23 : memref<64x128xf32, #tpu.memory_space<vmem>>)
    %dma_wait3A_226 = arith.constant 192 : i32
    %dma_wait3A_227 = tpu.memref_slice %arg19[%dma_wait3A_226] : memref<512xi32, #tpu.memory_space<vmem>> -> memref<64xi32, #tpu.memory_space<vmem>>
    %dma_wait3A_228 = arith.constant 0 : i32
    %dma_wait3A_229 = arith.constant 0 : i32
    %dma_wait3A_230 = tpu.memref_slice %arg10[%dma_wait3A_228, %dma_wait3A_229] : memref<250000x128xf32, #tpu.memory_space<hbm>> -> memref<250000x128xf32, #tpu.memory_space<hbm>>
    tpu.wait_indirect_dma semaphore(%arg25 : memref<!tpu.dma_semaphore, #tpu.memory_space<semaphore_mem>>) src(%dma_wait3A_230 : memref<250000x128xf32, #tpu.memory_space<hbm>>) dst(%arg24 : memref<64x128xf32, #tpu.memory_space<vmem>>)
    %add3A_231 = arith.constant 192 : i32
    %add3A_232 = arith.addi %mul3A_2, %add3A_231 : i32
    "tpu.region"() ({
      %run_scoped3A = tpu.sem_alloc : memref<!tpu.dma_semaphore, #tpu.memory_space<semaphore_mem>>
      %dma_start3A_321 = arith.constant 0 : i32
      %dma_start3A_322 = tpu.memref_slice %arg14[%add3A_232, %dma_start3A_321] : memref<16384x128xf32, #tpu.memory_space<hbm>> -> memref<64x128xf32, #tpu.memory_space<hbm>>
      %dma_start3A_323 = arith.constant 0 : i32
      %dma_start3A_324 = tpu.memref_slice %arg14[%add3A_232, %dma_start3A_323] : memref<16384x128xf32, #tpu.memory_space<hbm>> -> memref<64x128xf32, #tpu.memory_space<hbm>>
      tpu.enqueue_dma source(%arg23 : memref<64x128xf32, #tpu.memory_space<vmem>>) target(%dma_start3A_324 : memref<64x128xf32, #tpu.memory_space<hbm>>) target_semaphore(%run_scoped3A : memref<!tpu.dma_semaphore, #tpu.memory_space<semaphore_mem>>)
      %dma_wait3A_325 = arith.constant 0 : i32
      %dma_wait3A_326 = tpu.memref_slice %arg14[%add3A_232, %dma_wait3A_325] : memref<16384x128xf32, #tpu.memory_space<hbm>> -> memref<64x128xf32, #tpu.memory_space<hbm>>
      %dma_wait3A_327 = arith.constant 0 : i32
      %dma_wait3A_328 = tpu.memref_slice %arg14[%add3A_232, %dma_wait3A_327] : memref<16384x128xf32, #tpu.memory_space<hbm>> -> memref<64x128xf32, #tpu.memory_space<hbm>>
      tpu.wait_dma2 semaphore(%run_scoped3A : memref<!tpu.dma_semaphore, #tpu.memory_space<semaphore_mem>>) src(%arg23 : memref<64x128xf32, #tpu.memory_space<vmem>>) dst(%dma_wait3A_328 : memref<64x128xf32, #tpu.memory_space<hbm>>)
      tpu.yield
    }) : () -> ()
    "tpu.region"() ({
      %run_scoped3A = tpu.sem_alloc : memref<!tpu.dma_semaphore, #tpu.memory_space<semaphore_mem>>
      %dma_start3A_321 = arith.constant 0 : i32
      %dma_start3A_322 = tpu.memref_slice %arg15[%add3A_232, %dma_start3A_321] : memref<16384x128xf32, #tpu.memory_space<hbm>> -> memref<64x128xf32, #tpu.memory_space<hbm>>
      %dma_start3A_323 = arith.constant 0 : i32
      %dma_start3A_324 = tpu.memref_slice %arg15[%add3A_232, %dma_start3A_323] : memref<16384x128xf32, #tpu.memory_space<hbm>> -> memref<64x128xf32, #tpu.memory_space<hbm>>
      tpu.enqueue_dma source(%arg24 : memref<64x128xf32, #tpu.memory_space<vmem>>) target(%dma_start3A_324 : memref<64x128xf32, #tpu.memory_space<hbm>>) target_semaphore(%run_scoped3A : memref<!tpu.dma_semaphore, #tpu.memory_space<semaphore_mem>>)
      %dma_wait3A_325 = arith.constant 0 : i32
      %dma_wait3A_326 = tpu.memref_slice %arg15[%add3A_232, %dma_wait3A_325] : memref<16384x128xf32, #tpu.memory_space<hbm>> -> memref<64x128xf32, #tpu.memory_space<hbm>>
      %dma_wait3A_327 = arith.constant 0 : i32
      %dma_wait3A_328 = tpu.memref_slice %arg15[%add3A_232, %dma_wait3A_327] : memref<16384x128xf32, #tpu.memory_space<hbm>> -> memref<64x128xf32, #tpu.memory_space<hbm>>
      tpu.wait_dma2 semaphore(%run_scoped3A : memref<!tpu.dma_semaphore, #tpu.memory_space<semaphore_mem>>) src(%arg24 : memref<64x128xf32, #tpu.memory_space<vmem>>) dst(%dma_wait3A_328 : memref<64x128xf32, #tpu.memory_space<hbm>>)
      tpu.yield
    }) : () -> ()
    %dma_start3A_233 = arith.constant 256 : i32
    %dma_start3A_234 = tpu.memref_slice %arg18[%dma_start3A_233] : memref<512xi32, #tpu.memory_space<vmem>> -> memref<64xi32, #tpu.memory_space<vmem>>
    %dma_start3A_235 = arith.constant 0 : i32
    %dma_start3A_236 = arith.constant 0 : i32
    %dma_start3A_237 = tpu.memref_slice %arg9[%dma_start3A_235, %dma_start3A_236] : memref<250000x128xf32, #tpu.memory_space<hbm>> -> memref<250000x128xf32, #tpu.memory_space<hbm>>
    tpu.enqueue_indirect_dma source(%dma_start3A_237 : memref<250000x128xf32, #tpu.memory_space<hbm>>) target(%arg23 : memref<64x128xf32, #tpu.memory_space<vmem>>) offsets(%dma_start3A_234 : memref<64xi32, #tpu.memory_space<vmem>>) semaphore(%arg25 : memref<!tpu.dma_semaphore, #tpu.memory_space<semaphore_mem>>)
    %dma_start3A_238 = arith.constant 256 : i32
    %dma_start3A_239 = tpu.memref_slice %arg19[%dma_start3A_238] : memref<512xi32, #tpu.memory_space<vmem>> -> memref<64xi32, #tpu.memory_space<vmem>>
    %dma_start3A_240 = arith.constant 0 : i32
    %dma_start3A_241 = arith.constant 0 : i32
    %dma_start3A_242 = tpu.memref_slice %arg10[%dma_start3A_240, %dma_start3A_241] : memref<250000x128xf32, #tpu.memory_space<hbm>> -> memref<250000x128xf32, #tpu.memory_space<hbm>>
    tpu.enqueue_indirect_dma source(%dma_start3A_242 : memref<250000x128xf32, #tpu.memory_space<hbm>>) target(%arg24 : memref<64x128xf32, #tpu.memory_space<vmem>>) offsets(%dma_start3A_239 : memref<64xi32, #tpu.memory_space<vmem>>) semaphore(%arg25 : memref<!tpu.dma_semaphore, #tpu.memory_space<semaphore_mem>>)
    %dma_wait3A_243 = arith.constant 256 : i32
    %dma_wait3A_244 = tpu.memref_slice %arg18[%dma_wait3A_243] : memref<512xi32, #tpu.memory_space<vmem>> -> memref<64xi32, #tpu.memory_space<vmem>>
    %dma_wait3A_245 = arith.constant 0 : i32
    %dma_wait3A_246 = arith.constant 0 : i32
    %dma_wait3A_247 = tpu.memref_slice %arg9[%dma_wait3A_245, %dma_wait3A_246] : memref<250000x128xf32, #tpu.memory_space<hbm>> -> memref<250000x128xf32, #tpu.memory_space<hbm>>
    tpu.wait_indirect_dma semaphore(%arg25 : memref<!tpu.dma_semaphore, #tpu.memory_space<semaphore_mem>>) src(%dma_wait3A_247 : memref<250000x128xf32, #tpu.memory_space<hbm>>) dst(%arg23 : memref<64x128xf32, #tpu.memory_space<vmem>>)
    %dma_wait3A_248 = arith.constant 256 : i32
    %dma_wait3A_249 = tpu.memref_slice %arg19[%dma_wait3A_248] : memref<512xi32, #tpu.memory_space<vmem>> -> memref<64xi32, #tpu.memory_space<vmem>>
    %dma_wait3A_250 = arith.constant 0 : i32
    %dma_wait3A_251 = arith.constant 0 : i32
    %dma_wait3A_252 = tpu.memref_slice %arg10[%dma_wait3A_250, %dma_wait3A_251] : memref<250000x128xf32, #tpu.memory_space<hbm>> -> memref<250000x128xf32, #tpu.memory_space<hbm>>
    tpu.wait_indirect_dma semaphore(%arg25 : memref<!tpu.dma_semaphore, #tpu.memory_space<semaphore_mem>>) src(%dma_wait3A_252 : memref<250000x128xf32, #tpu.memory_space<hbm>>) dst(%arg24 : memref<64x128xf32, #tpu.memory_space<vmem>>)
    %add3A_253 = arith.constant 256 : i32
    %add3A_254 = arith.addi %mul3A_2, %add3A_253 : i32
    "tpu.region"() ({
      %run_scoped3A = tpu.sem_alloc : memref<!tpu.dma_semaphore, #tpu.memory_space<semaphore_mem>>
      %dma_start3A_321 = arith.constant 0 : i32
      %dma_start3A_322 = tpu.memref_slice %arg14[%add3A_254, %dma_start3A_321] : memref<16384x128xf32, #tpu.memory_space<hbm>> -> memref<64x128xf32, #tpu.memory_space<hbm>>
      %dma_start3A_323 = arith.constant 0 : i32
      %dma_start3A_324 = tpu.memref_slice %arg14[%add3A_254, %dma_start3A_323] : memref<16384x128xf32, #tpu.memory_space<hbm>> -> memref<64x128xf32, #tpu.memory_space<hbm>>
      tpu.enqueue_dma source(%arg23 : memref<64x128xf32, #tpu.memory_space<vmem>>) target(%dma_start3A_324 : memref<64x128xf32, #tpu.memory_space<hbm>>) target_semaphore(%run_scoped3A : memref<!tpu.dma_semaphore, #tpu.memory_space<semaphore_mem>>)
      %dma_wait3A_325 = arith.constant 0 : i32
      %dma_wait3A_326 = tpu.memref_slice %arg14[%add3A_254, %dma_wait3A_325] : memref<16384x128xf32, #tpu.memory_space<hbm>> -> memref<64x128xf32, #tpu.memory_space<hbm>>
      %dma_wait3A_327 = arith.constant 0 : i32
      %dma_wait3A_328 = tpu.memref_slice %arg14[%add3A_254, %dma_wait3A_327] : memref<16384x128xf32, #tpu.memory_space<hbm>> -> memref<64x128xf32, #tpu.memory_space<hbm>>
      tpu.wait_dma2 semaphore(%run_scoped3A : memref<!tpu.dma_semaphore, #tpu.memory_space<semaphore_mem>>) src(%arg23 : memref<64x128xf32, #tpu.memory_space<vmem>>) dst(%dma_wait3A_328 : memref<64x128xf32, #tpu.memory_space<hbm>>)
      tpu.yield
    }) : () -> ()
    "tpu.region"() ({
      %run_scoped3A = tpu.sem_alloc : memref<!tpu.dma_semaphore, #tpu.memory_space<semaphore_mem>>
      %dma_start3A_321 = arith.constant 0 : i32
      %dma_start3A_322 = tpu.memref_slice %arg15[%add3A_254, %dma_start3A_321] : memref<16384x128xf32, #tpu.memory_space<hbm>> -> memref<64x128xf32, #tpu.memory_space<hbm>>
      %dma_start3A_323 = arith.constant 0 : i32
      %dma_start3A_324 = tpu.memref_slice %arg15[%add3A_254, %dma_start3A_323] : memref<16384x128xf32, #tpu.memory_space<hbm>> -> memref<64x128xf32, #tpu.memory_space<hbm>>
      tpu.enqueue_dma source(%arg24 : memref<64x128xf32, #tpu.memory_space<vmem>>) target(%dma_start3A_324 : memref<64x128xf32, #tpu.memory_space<hbm>>) target_semaphore(%run_scoped3A : memref<!tpu.dma_semaphore, #tpu.memory_space<semaphore_mem>>)
      %dma_wait3A_325 = arith.constant 0 : i32
      %dma_wait3A_326 = tpu.memref_slice %arg15[%add3A_254, %dma_wait3A_325] : memref<16384x128xf32, #tpu.memory_space<hbm>> -> memref<64x128xf32, #tpu.memory_space<hbm>>
      %dma_wait3A_327 = arith.constant 0 : i32
      %dma_wait3A_328 = tpu.memref_slice %arg15[%add3A_254, %dma_wait3A_327] : memref<16384x128xf32, #tpu.memory_space<hbm>> -> memref<64x128xf32, #tpu.memory_space<hbm>>
      tpu.wait_dma2 semaphore(%run_scoped3A : memref<!tpu.dma_semaphore, #tpu.memory_space<semaphore_mem>>) src(%arg24 : memref<64x128xf32, #tpu.memory_space<vmem>>) dst(%dma_wait3A_328 : memref<64x128xf32, #tpu.memory_space<hbm>>)
      tpu.yield
    }) : () -> ()
    %dma_start3A_255 = arith.constant 320 : i32
    %dma_start3A_256 = tpu.memref_slice %arg18[%dma_start3A_255] : memref<512xi32, #tpu.memory_space<vmem>> -> memref<64xi32, #tpu.memory_space<vmem>>
    %dma_start3A_257 = arith.constant 0 : i32
    %dma_start3A_258 = arith.constant 0 : i32
    %dma_start3A_259 = tpu.memref_slice %arg9[%dma_start3A_257, %dma_start3A_258] : memref<250000x128xf32, #tpu.memory_space<hbm>> -> memref<250000x128xf32, #tpu.memory_space<hbm>>
    tpu.enqueue_indirect_dma source(%dma_start3A_259 : memref<250000x128xf32, #tpu.memory_space<hbm>>) target(%arg23 : memref<64x128xf32, #tpu.memory_space<vmem>>) offsets(%dma_start3A_256 : memref<64xi32, #tpu.memory_space<vmem>>) semaphore(%arg25 : memref<!tpu.dma_semaphore, #tpu.memory_space<semaphore_mem>>)
    %dma_start3A_260 = arith.constant 320 : i32
    %dma_start3A_261 = tpu.memref_slice %arg19[%dma_start3A_260] : memref<512xi32, #tpu.memory_space<vmem>> -> memref<64xi32, #tpu.memory_space<vmem>>
    %dma_start3A_262 = arith.constant 0 : i32
    %dma_start3A_263 = arith.constant 0 : i32
    %dma_start3A_264 = tpu.memref_slice %arg10[%dma_start3A_262, %dma_start3A_263] : memref<250000x128xf32, #tpu.memory_space<hbm>> -> memref<250000x128xf32, #tpu.memory_space<hbm>>
    tpu.enqueue_indirect_dma source(%dma_start3A_264 : memref<250000x128xf32, #tpu.memory_space<hbm>>) target(%arg24 : memref<64x128xf32, #tpu.memory_space<vmem>>) offsets(%dma_start3A_261 : memref<64xi32, #tpu.memory_space<vmem>>) semaphore(%arg25 : memref<!tpu.dma_semaphore, #tpu.memory_space<semaphore_mem>>)
    %dma_wait3A_265 = arith.constant 320 : i32
    %dma_wait3A_266 = tpu.memref_slice %arg18[%dma_wait3A_265] : memref<512xi32, #tpu.memory_space<vmem>> -> memref<64xi32, #tpu.memory_space<vmem>>
    %dma_wait3A_267 = arith.constant 0 : i32
    %dma_wait3A_268 = arith.constant 0 : i32
    %dma_wait3A_269 = tpu.memref_slice %arg9[%dma_wait3A_267, %dma_wait3A_268] : memref<250000x128xf32, #tpu.memory_space<hbm>> -> memref<250000x128xf32, #tpu.memory_space<hbm>>
    tpu.wait_indirect_dma semaphore(%arg25 : memref<!tpu.dma_semaphore, #tpu.memory_space<semaphore_mem>>) src(%dma_wait3A_269 : memref<250000x128xf32, #tpu.memory_space<hbm>>) dst(%arg23 : memref<64x128xf32, #tpu.memory_space<vmem>>)
    %dma_wait3A_270 = arith.constant 320 : i32
    %dma_wait3A_271 = tpu.memref_slice %arg19[%dma_wait3A_270] : memref<512xi32, #tpu.memory_space<vmem>> -> memref<64xi32, #tpu.memory_space<vmem>>
    %dma_wait3A_272 = arith.constant 0 : i32
    %dma_wait3A_273 = arith.constant 0 : i32
    %dma_wait3A_274 = tpu.memref_slice %arg10[%dma_wait3A_272, %dma_wait3A_273] : memref<250000x128xf32, #tpu.memory_space<hbm>> -> memref<250000x128xf32, #tpu.memory_space<hbm>>
    tpu.wait_indirect_dma semaphore(%arg25 : memref<!tpu.dma_semaphore, #tpu.memory_space<semaphore_mem>>) src(%dma_wait3A_274 : memref<250000x128xf32, #tpu.memory_space<hbm>>) dst(%arg24 : memref<64x128xf32, #tpu.memory_space<vmem>>)
    %add3A_275 = arith.constant 320 : i32
    %add3A_276 = arith.addi %mul3A_2, %add3A_275 : i32
    "tpu.region"() ({
      %run_scoped3A = tpu.sem_alloc : memref<!tpu.dma_semaphore, #tpu.memory_space<semaphore_mem>>
      %dma_start3A_321 = arith.constant 0 : i32
      %dma_start3A_322 = tpu.memref_slice %arg14[%add3A_276, %dma_start3A_321] : memref<16384x128xf32, #tpu.memory_space<hbm>> -> memref<64x128xf32, #tpu.memory_space<hbm>>
      %dma_start3A_323 = arith.constant 0 : i32
      %dma_start3A_324 = tpu.memref_slice %arg14[%add3A_276, %dma_start3A_323] : memref<16384x128xf32, #tpu.memory_space<hbm>> -> memref<64x128xf32, #tpu.memory_space<hbm>>
      tpu.enqueue_dma source(%arg23 : memref<64x128xf32, #tpu.memory_space<vmem>>) target(%dma_start3A_324 : memref<64x128xf32, #tpu.memory_space<hbm>>) target_semaphore(%run_scoped3A : memref<!tpu.dma_semaphore, #tpu.memory_space<semaphore_mem>>)
      %dma_wait3A_325 = arith.constant 0 : i32
      %dma_wait3A_326 = tpu.memref_slice %arg14[%add3A_276, %dma_wait3A_325] : memref<16384x128xf32, #tpu.memory_space<hbm>> -> memref<64x128xf32, #tpu.memory_space<hbm>>
      %dma_wait3A_327 = arith.constant 0 : i32
      %dma_wait3A_328 = tpu.memref_slice %arg14[%add3A_276, %dma_wait3A_327] : memref<16384x128xf32, #tpu.memory_space<hbm>> -> memref<64x128xf32, #tpu.memory_space<hbm>>
      tpu.wait_dma2 semaphore(%run_scoped3A : memref<!tpu.dma_semaphore, #tpu.memory_space<semaphore_mem>>) src(%arg23 : memref<64x128xf32, #tpu.memory_space<vmem>>) dst(%dma_wait3A_328 : memref<64x128xf32, #tpu.memory_space<hbm>>)
      tpu.yield
    }) : () -> ()
    "tpu.region"() ({
      %run_scoped3A = tpu.sem_alloc : memref<!tpu.dma_semaphore, #tpu.memory_space<semaphore_mem>>
      %dma_start3A_321 = arith.constant 0 : i32
      %dma_start3A_322 = tpu.memref_slice %arg15[%add3A_276, %dma_start3A_321] : memref<16384x128xf32, #tpu.memory_space<hbm>> -> memref<64x128xf32, #tpu.memory_space<hbm>>
      %dma_start3A_323 = arith.constant 0 : i32
      %dma_start3A_324 = tpu.memref_slice %arg15[%add3A_276, %dma_start3A_323] : memref<16384x128xf32, #tpu.memory_space<hbm>> -> memref<64x128xf32, #tpu.memory_space<hbm>>
      tpu.enqueue_dma source(%arg24 : memref<64x128xf32, #tpu.memory_space<vmem>>) target(%dma_start3A_324 : memref<64x128xf32, #tpu.memory_space<hbm>>) target_semaphore(%run_scoped3A : memref<!tpu.dma_semaphore, #tpu.memory_space<semaphore_mem>>)
      %dma_wait3A_325 = arith.constant 0 : i32
      %dma_wait3A_326 = tpu.memref_slice %arg15[%add3A_276, %dma_wait3A_325] : memref<16384x128xf32, #tpu.memory_space<hbm>> -> memref<64x128xf32, #tpu.memory_space<hbm>>
      %dma_wait3A_327 = arith.constant 0 : i32
      %dma_wait3A_328 = tpu.memref_slice %arg15[%add3A_276, %dma_wait3A_327] : memref<16384x128xf32, #tpu.memory_space<hbm>> -> memref<64x128xf32, #tpu.memory_space<hbm>>
      tpu.wait_dma2 semaphore(%run_scoped3A : memref<!tpu.dma_semaphore, #tpu.memory_space<semaphore_mem>>) src(%arg24 : memref<64x128xf32, #tpu.memory_space<vmem>>) dst(%dma_wait3A_328 : memref<64x128xf32, #tpu.memory_space<hbm>>)
      tpu.yield
    }) : () -> ()
    %dma_start3A_277 = arith.constant 384 : i32
    %dma_start3A_278 = tpu.memref_slice %arg18[%dma_start3A_277] : memref<512xi32, #tpu.memory_space<vmem>> -> memref<64xi32, #tpu.memory_space<vmem>>
    %dma_start3A_279 = arith.constant 0 : i32
    %dma_start3A_280 = arith.constant 0 : i32
    %dma_start3A_281 = tpu.memref_slice %arg9[%dma_start3A_279, %dma_start3A_280] : memref<250000x128xf32, #tpu.memory_space<hbm>> -> memref<250000x128xf32, #tpu.memory_space<hbm>>
    tpu.enqueue_indirect_dma source(%dma_start3A_281 : memref<250000x128xf32, #tpu.memory_space<hbm>>) target(%arg23 : memref<64x128xf32, #tpu.memory_space<vmem>>) offsets(%dma_start3A_278 : memref<64xi32, #tpu.memory_space<vmem>>) semaphore(%arg25 : memref<!tpu.dma_semaphore, #tpu.memory_space<semaphore_mem>>)
    %dma_start3A_282 = arith.constant 384 : i32
    %dma_start3A_283 = tpu.memref_slice %arg19[%dma_start3A_282] : memref<512xi32, #tpu.memory_space<vmem>> -> memref<64xi32, #tpu.memory_space<vmem>>
    %dma_start3A_284 = arith.constant 0 : i32
    %dma_start3A_285 = arith.constant 0 : i32
    %dma_start3A_286 = tpu.memref_slice %arg10[%dma_start3A_284, %dma_start3A_285] : memref<250000x128xf32, #tpu.memory_space<hbm>> -> memref<250000x128xf32, #tpu.memory_space<hbm>>
    tpu.enqueue_indirect_dma source(%dma_start3A_286 : memref<250000x128xf32, #tpu.memory_space<hbm>>) target(%arg24 : memref<64x128xf32, #tpu.memory_space<vmem>>) offsets(%dma_start3A_283 : memref<64xi32, #tpu.memory_space<vmem>>) semaphore(%arg25 : memref<!tpu.dma_semaphore, #tpu.memory_space<semaphore_mem>>)
    %dma_wait3A_287 = arith.constant 384 : i32
    %dma_wait3A_288 = tpu.memref_slice %arg18[%dma_wait3A_287] : memref<512xi32, #tpu.memory_space<vmem>> -> memref<64xi32, #tpu.memory_space<vmem>>
    %dma_wait3A_289 = arith.constant 0 : i32
    %dma_wait3A_290 = arith.constant 0 : i32
    %dma_wait3A_291 = tpu.memref_slice %arg9[%dma_wait3A_289, %dma_wait3A_290] : memref<250000x128xf32, #tpu.memory_space<hbm>> -> memref<250000x128xf32, #tpu.memory_space<hbm>>
    tpu.wait_indirect_dma semaphore(%arg25 : memref<!tpu.dma_semaphore, #tpu.memory_space<semaphore_mem>>) src(%dma_wait3A_291 : memref<250000x128xf32, #tpu.memory_space<hbm>>) dst(%arg23 : memref<64x128xf32, #tpu.memory_space<vmem>>)
    %dma_wait3A_292 = arith.constant 384 : i32
    %dma_wait3A_293 = tpu.memref_slice %arg19[%dma_wait3A_292] : memref<512xi32, #tpu.memory_space<vmem>> -> memref<64xi32, #tpu.memory_space<vmem>>
    %dma_wait3A_294 = arith.constant 0 : i32
    %dma_wait3A_295 = arith.constant 0 : i32
    %dma_wait3A_296 = tpu.memref_slice %arg10[%dma_wait3A_294, %dma_wait3A_295] : memref<250000x128xf32, #tpu.memory_space<hbm>> -> memref<250000x128xf32, #tpu.memory_space<hbm>>
    tpu.wait_indirect_dma semaphore(%arg25 : memref<!tpu.dma_semaphore, #tpu.memory_space<semaphore_mem>>) src(%dma_wait3A_296 : memref<250000x128xf32, #tpu.memory_space<hbm>>) dst(%arg24 : memref<64x128xf32, #tpu.memory_space<vmem>>)
    %add3A_297 = arith.constant 384 : i32
    %add3A_298 = arith.addi %mul3A_2, %add3A_297 : i32
    "tpu.region"() ({
      %run_scoped3A = tpu.sem_alloc : memref<!tpu.dma_semaphore, #tpu.memory_space<semaphore_mem>>
      %dma_start3A_321 = arith.constant 0 : i32
      %dma_start3A_322 = tpu.memref_slice %arg14[%add3A_298, %dma_start3A_321] : memref<16384x128xf32, #tpu.memory_space<hbm>> -> memref<64x128xf32, #tpu.memory_space<hbm>>
      %dma_start3A_323 = arith.constant 0 : i32
      %dma_start3A_324 = tpu.memref_slice %arg14[%add3A_298, %dma_start3A_323] : memref<16384x128xf32, #tpu.memory_space<hbm>> -> memref<64x128xf32, #tpu.memory_space<hbm>>
      tpu.enqueue_dma source(%arg23 : memref<64x128xf32, #tpu.memory_space<vmem>>) target(%dma_start3A_324 : memref<64x128xf32, #tpu.memory_space<hbm>>) target_semaphore(%run_scoped3A : memref<!tpu.dma_semaphore, #tpu.memory_space<semaphore_mem>>)
      %dma_wait3A_325 = arith.constant 0 : i32
      %dma_wait3A_326 = tpu.memref_slice %arg14[%add3A_298, %dma_wait3A_325] : memref<16384x128xf32, #tpu.memory_space<hbm>> -> memref<64x128xf32, #tpu.memory_space<hbm>>
      %dma_wait3A_327 = arith.constant 0 : i32
      %dma_wait3A_328 = tpu.memref_slice %arg14[%add3A_298, %dma_wait3A_327] : memref<16384x128xf32, #tpu.memory_space<hbm>> -> memref<64x128xf32, #tpu.memory_space<hbm>>
      tpu.wait_dma2 semaphore(%run_scoped3A : memref<!tpu.dma_semaphore, #tpu.memory_space<semaphore_mem>>) src(%arg23 : memref<64x128xf32, #tpu.memory_space<vmem>>) dst(%dma_wait3A_328 : memref<64x128xf32, #tpu.memory_space<hbm>>)
      tpu.yield
    }) : () -> ()
    "tpu.region"() ({
      %run_scoped3A = tpu.sem_alloc : memref<!tpu.dma_semaphore, #tpu.memory_space<semaphore_mem>>
      %dma_start3A_321 = arith.constant 0 : i32
      %dma_start3A_322 = tpu.memref_slice %arg15[%add3A_298, %dma_start3A_321] : memref<16384x128xf32, #tpu.memory_space<hbm>> -> memref<64x128xf32, #tpu.memory_space<hbm>>
      %dma_start3A_323 = arith.constant 0 : i32
      %dma_start3A_324 = tpu.memref_slice %arg15[%add3A_298, %dma_start3A_323] : memref<16384x128xf32, #tpu.memory_space<hbm>> -> memref<64x128xf32, #tpu.memory_space<hbm>>
      tpu.enqueue_dma source(%arg24 : memref<64x128xf32, #tpu.memory_space<vmem>>) target(%dma_start3A_324 : memref<64x128xf32, #tpu.memory_space<hbm>>) target_semaphore(%run_scoped3A : memref<!tpu.dma_semaphore, #tpu.memory_space<semaphore_mem>>)
      %dma_wait3A_325 = arith.constant 0 : i32
      %dma_wait3A_326 = tpu.memref_slice %arg15[%add3A_298, %dma_wait3A_325] : memref<16384x128xf32, #tpu.memory_space<hbm>> -> memref<64x128xf32, #tpu.memory_space<hbm>>
      %dma_wait3A_327 = arith.constant 0 : i32
      %dma_wait3A_328 = tpu.memref_slice %arg15[%add3A_298, %dma_wait3A_327] : memref<16384x128xf32, #tpu.memory_space<hbm>> -> memref<64x128xf32, #tpu.memory_space<hbm>>
      tpu.wait_dma2 semaphore(%run_scoped3A : memref<!tpu.dma_semaphore, #tpu.memory_space<semaphore_mem>>) src(%arg24 : memref<64x128xf32, #tpu.memory_space<vmem>>) dst(%dma_wait3A_328 : memref<64x128xf32, #tpu.memory_space<hbm>>)
      tpu.yield
    }) : () -> ()
    %dma_start3A_299 = arith.constant 448 : i32
    %dma_start3A_300 = tpu.memref_slice %arg18[%dma_start3A_299] : memref<512xi32, #tpu.memory_space<vmem>> -> memref<64xi32, #tpu.memory_space<vmem>>
    %dma_start3A_301 = arith.constant 0 : i32
    %dma_start3A_302 = arith.constant 0 : i32
    %dma_start3A_303 = tpu.memref_slice %arg9[%dma_start3A_301, %dma_start3A_302] : memref<250000x128xf32, #tpu.memory_space<hbm>> -> memref<250000x128xf32, #tpu.memory_space<hbm>>
    tpu.enqueue_indirect_dma source(%dma_start3A_303 : memref<250000x128xf32, #tpu.memory_space<hbm>>) target(%arg23 : memref<64x128xf32, #tpu.memory_space<vmem>>) offsets(%dma_start3A_300 : memref<64xi32, #tpu.memory_space<vmem>>) semaphore(%arg25 : memref<!tpu.dma_semaphore, #tpu.memory_space<semaphore_mem>>)
    %dma_start3A_304 = arith.constant 448 : i32
    %dma_start3A_305 = tpu.memref_slice %arg19[%dma_start3A_304] : memref<512xi32, #tpu.memory_space<vmem>> -> memref<64xi32, #tpu.memory_space<vmem>>
    %dma_start3A_306 = arith.constant 0 : i32
    %dma_start3A_307 = arith.constant 0 : i32
    %dma_start3A_308 = tpu.memref_slice %arg10[%dma_start3A_306, %dma_start3A_307] : memref<250000x128xf32, #tpu.memory_space<hbm>> -> memref<250000x128xf32, #tpu.memory_space<hbm>>
    tpu.enqueue_indirect_dma source(%dma_start3A_308 : memref<250000x128xf32, #tpu.memory_space<hbm>>) target(%arg24 : memref<64x128xf32, #tpu.memory_space<vmem>>) offsets(%dma_start3A_305 : memref<64xi32, #tpu.memory_space<vmem>>) semaphore(%arg25 : memref<!tpu.dma_semaphore, #tpu.memory_space<semaphore_mem>>)
    %dma_wait3A_309 = arith.constant 448 : i32
    %dma_wait3A_310 = tpu.memref_slice %arg18[%dma_wait3A_309] : memref<512xi32, #tpu.memory_space<vmem>> -> memref<64xi32, #tpu.memory_space<vmem>>
    %dma_wait3A_311 = arith.constant 0 : i32
    %dma_wait3A_312 = arith.constant 0 : i32
    %dma_wait3A_313 = tpu.memref_slice %arg9[%dma_wait3A_311, %dma_wait3A_312] : memref<250000x128xf32, #tpu.memory_space<hbm>> -> memref<250000x128xf32, #tpu.memory_space<hbm>>
    tpu.wait_indirect_dma semaphore(%arg25 : memref<!tpu.dma_semaphore, #tpu.memory_space<semaphore_mem>>) src(%dma_wait3A_313 : memref<250000x128xf32, #tpu.memory_space<hbm>>) dst(%arg23 : memref<64x128xf32, #tpu.memory_space<vmem>>)
    %dma_wait3A_314 = arith.constant 448 : i32
    %dma_wait3A_315 = tpu.memref_slice %arg19[%dma_wait3A_314] : memref<512xi32, #tpu.memory_space<vmem>> -> memref<64xi32, #tpu.memory_space<vmem>>
    %dma_wait3A_316 = arith.constant 0 : i32
    %dma_wait3A_317 = arith.constant 0 : i32
    %dma_wait3A_318 = tpu.memref_slice %arg10[%dma_wait3A_316, %dma_wait3A_317] : memref<250000x128xf32, #tpu.memory_space<hbm>> -> memref<250000x128xf32, #tpu.memory_space<hbm>>
    tpu.wait_indirect_dma semaphore(%arg25 : memref<!tpu.dma_semaphore, #tpu.memory_space<semaphore_mem>>) src(%dma_wait3A_318 : memref<250000x128xf32, #tpu.memory_space<hbm>>) dst(%arg24 : memref<64x128xf32, #tpu.memory_space<vmem>>)
    %add3A_319 = arith.constant 448 : i32
    %add3A_320 = arith.addi %mul3A_2, %add3A_319 : i32
    "tpu.region"() ({
      %run_scoped3A = tpu.sem_alloc : memref<!tpu.dma_semaphore, #tpu.memory_space<semaphore_mem>>
      %dma_start3A_321 = arith.constant 0 : i32
      %dma_start3A_322 = tpu.memref_slice %arg14[%add3A_320, %dma_start3A_321] : memref<16384x128xf32, #tpu.memory_space<hbm>> -> memref<64x128xf32, #tpu.memory_space<hbm>>
      %dma_start3A_323 = arith.constant 0 : i32
      %dma_start3A_324 = tpu.memref_slice %arg14[%add3A_320, %dma_start3A_323] : memref<16384x128xf32, #tpu.memory_space<hbm>> -> memref<64x128xf32, #tpu.memory_space<hbm>>
      tpu.enqueue_dma source(%arg23 : memref<64x128xf32, #tpu.memory_space<vmem>>) target(%dma_start3A_324 : memref<64x128xf32, #tpu.memory_space<hbm>>) target_semaphore(%run_scoped3A : memref<!tpu.dma_semaphore, #tpu.memory_space<semaphore_mem>>)
      %dma_wait3A_325 = arith.constant 0 : i32
      %dma_wait3A_326 = tpu.memref_slice %arg14[%add3A_320, %dma_wait3A_325] : memref<16384x128xf32, #tpu.memory_space<hbm>> -> memref<64x128xf32, #tpu.memory_space<hbm>>
      %dma_wait3A_327 = arith.constant 0 : i32
      %dma_wait3A_328 = tpu.memref_slice %arg14[%add3A_320, %dma_wait3A_327] : memref<16384x128xf32, #tpu.memory_space<hbm>> -> memref<64x128xf32, #tpu.memory_space<hbm>>
      tpu.wait_dma2 semaphore(%run_scoped3A : memref<!tpu.dma_semaphore, #tpu.memory_space<semaphore_mem>>) src(%arg23 : memref<64x128xf32, #tpu.memory_space<vmem>>) dst(%dma_wait3A_328 : memref<64x128xf32, #tpu.memory_space<hbm>>)
      tpu.yield
    }) : () -> ()
    "tpu.region"() ({
      %run_scoped3A = tpu.sem_alloc : memref<!tpu.dma_semaphore, #tpu.memory_space<semaphore_mem>>
      %dma_start3A_321 = arith.constant 0 : i32
      %dma_start3A_322 = tpu.memref_slice %arg15[%add3A_320, %dma_start3A_321] : memref<16384x128xf32, #tpu.memory_space<hbm>> -> memref<64x128xf32, #tpu.memory_space<hbm>>
      %dma_start3A_323 = arith.constant 0 : i32
      %dma_start3A_324 = tpu.memref_slice %arg15[%add3A_320, %dma_start3A_323] : memref<16384x128xf32, #tpu.memory_space<hbm>> -> memref<64x128xf32, #tpu.memory_space<hbm>>
      tpu.enqueue_dma source(%arg24 : memref<64x128xf32, #tpu.memory_space<vmem>>) target(%dma_start3A_324 : memref<64x128xf32, #tpu.memory_space<hbm>>) target_semaphore(%run_scoped3A : memref<!tpu.dma_semaphore, #tpu.memory_space<semaphore_mem>>)
      %dma_wait3A_325 = arith.constant 0 : i32
      %dma_wait3A_326 = tpu.memref_slice %arg15[%add3A_320, %dma_wait3A_325] : memref<16384x128xf32, #tpu.memory_space<hbm>> -> memref<64x128xf32, #tpu.memory_space<hbm>>
      %dma_wait3A_327 = arith.constant 0 : i32
      %dma_wait3A_328 = tpu.memref_slice %arg15[%add3A_320, %dma_wait3A_327] : memref<16384x128xf32, #tpu.memory_space<hbm>> -> memref<64x128xf32, #tpu.memory_space<hbm>>
      tpu.wait_dma2 semaphore(%run_scoped3A : memref<!tpu.dma_semaphore, #tpu.memory_space<semaphore_mem>>) src(%arg24 : memref<64x128xf32, #tpu.memory_space<vmem>>) dst(%dma_wait3A_328 : memref<64x128xf32, #tpu.memory_space<hbm>>)
      tpu.yield
    }) : () -> ()
    return
  }
}

module attributes {stable_mosaic.version = 14 : i64} {
  func.func @_tc_combine_body(%arg0: i32, %arg1: memref<5xf32, #tpu.memory_space<smem>>, %arg2: memref<16384xf32, #tpu.memory_space<vmem>>, %arg3: memref<16384xf32, #tpu.memory_space<vmem>>, %arg4: memref<16384xf32, #tpu.memory_space<vmem>>, %arg5: memref<16384xf32, #tpu.memory_space<vmem>>, %arg6: memref<16384xf32, #tpu.memory_space<vmem>>, %arg7: memref<16384xf32, #tpu.memory_space<vmem>>, %arg8: memref<16384xf32, #tpu.memory_space<vmem>>) attributes {dimension_semantics = [#tpu.dimension_semantics<arbitrary>], iteration_bounds = array<i64: 1>, scalar_prefetch = 0 : i64, scratch_operands = 0 : i64, tpu.core_type = #tpu.core_type<tc>, window_params = [{transform_indices = @transform_0, window_bounds = array<i64: 5>}, {transform_indices = @transform_1, window_bounds = array<i64: 16384>}, {transform_indices = @transform_2, window_bounds = array<i64: 16384>}, {transform_indices = @transform_3, window_bounds = array<i64: 16384>}, {transform_indices = @transform_4, window_bounds = array<i64: 16384>}, {transform_indices = @transform_5, window_bounds = array<i64: 16384>}, {transform_indices = @transform_6, window_bounds = array<i64: 16384>}, {transform_indices = @transform_7, window_bounds = array<i64: 16384>}]} {
    %get3A = arith.constant 1 : index
    %get3A_0 = memref.load %arg1[%get3A] : memref<5xf32, #tpu.memory_space<smem>>
    %get3A_1 = arith.constant 2 : index
    %get3A_2 = memref.load %arg1[%get3A_1] : memref<5xf32, #tpu.memory_space<smem>>
    %get3A_3 = arith.constant 3 : index
    %get3A_4 = memref.load %arg1[%get3A_3] : memref<5xf32, #tpu.memory_space<smem>>
    %get3A_5 = arith.constant 4 : index
    %get3A_6 = memref.load %arg1[%get3A_5] : memref<5xf32, #tpu.memory_space<smem>>
    %get3A_7 = arith.constant 0 : index
    %get3A_8 = vector.load %arg2[%get3A_7] : memref<16384xf32, #tpu.memory_space<vmem>>, vector<16384xf32>
    %get3A_9 = arith.constant 0 : index
    %get3A_10 = vector.load %arg4[%get3A_9] : memref<16384xf32, #tpu.memory_space<vmem>>, vector<16384xf32>
    %jit3A = arith.constant 1.000000e-01 : f32
    %jit3A_11 = arith.constant 1.000000e+01 : f32
    %max3A = vector.broadcast %jit3A : f32 to vector<16384xf32>
    %max3A_12 = arith.maximumf %max3A, %get3A_10 : vector<16384xf32>
    %min3A = vector.broadcast %jit3A_11 : f32 to vector<16384xf32>
    %min3A_13 = arith.minimumf %min3A, %max3A_12 : vector<16384xf32>
    %add3A = vector.broadcast %get3A_6 : f32 to vector<16384xf32>
    %add3A_14 = arith.addf %add3A, %min3A_13 : vector<16384xf32>
    %get3A_15 = arith.constant 0 : index
    %get3A_16 = vector.load %arg3[%get3A_15] : memref<16384xf32, #tpu.memory_space<vmem>>, vector<16384xf32>
    %mul3A = arith.mulf %get3A_16, %add3A_14 : vector<16384xf32>
    %min3A_17 = arith.minimumf %mul3A, %get3A_8 : vector<16384xf32>
    %sub3A = arith.subf %get3A_8, %min3A_17 : vector<16384xf32>
    %mul3A_18 = vector.broadcast %get3A_0 : f32 to vector<16384xf32>
    %mul3A_19 = arith.mulf %mul3A_18, %sub3A : vector<16384xf32>
    %mul3A_20 = vector.broadcast %get3A_2 : f32 to vector<16384xf32>
    %mul3A_21 = arith.mulf %mul3A_20, %sub3A : vector<16384xf32>
    %mul3A_22 = arith.mulf %mul3A_21, %sub3A : vector<16384xf32>
    %add3A_23 = arith.addf %mul3A_19, %mul3A_22 : vector<16384xf32>
    %add3A_24 = vector.broadcast %get3A_4 : f32 to vector<16384xf32>
    %add3A_25 = arith.addf %add3A_23, %add3A_24 : vector<16384xf32>
    %get3A_26 = arith.constant 0 : index
    %get3A_27 = vector.load %arg5[%get3A_26] : memref<16384xf32, #tpu.memory_space<vmem>>, vector<16384xf32>
    %add3A_28 = arith.addf %add3A_25, %get3A_27 : vector<16384xf32>
    %get3A_29 = arith.constant 0 : index
    %get3A_30 = vector.load %arg6[%get3A_29] : memref<16384xf32, #tpu.memory_space<vmem>>, vector<16384xf32>
    %add3A_31 = arith.addf %add3A_28, %get3A_30 : vector<16384xf32>
    %neg3A = arith.constant 0.000000e+00 : f32
    %neg3A_32 = vector.broadcast %neg3A : f32 to vector<16384xf32>
    %neg3A_33 = arith.subf %neg3A_32, %add3A_31 : vector<16384xf32>
    %exp3A = math.exp %neg3A_33 : vector<16384xf32>
    %add3A_34 = arith.constant 1.000000e+00 : f32
    %add3A_35 = vector.broadcast %add3A_34 : f32 to vector<16384xf32>
    %add3A_36 = arith.addf %add3A_35, %exp3A : vector<16384xf32>
    %div3A = arith.constant 1.000000e+00 : f32
    %div3A_37 = vector.broadcast %div3A : f32 to vector<16384xf32>
    %div3A_38 = arith.divf %div3A_37, %add3A_36 : vector<16384xf32>
    %swap3A = arith.constant 0 : index
    %swap3A_39 = vector.load %arg7[%swap3A] : memref<16384xf32, #tpu.memory_space<vmem>>, vector<16384xf32>
    tpu.vector_store %arg7[%swap3A], %div3A_38 {strides = array<i32>} : memref<16384xf32, #tpu.memory_space<vmem>>, vector<16384xf32>,
    %swap3A_40 = arith.constant 0 : index
    %swap3A_41 = vector.load %arg8[%swap3A_40] : memref<16384xf32, #tpu.memory_space<vmem>>, vector<16384xf32>
    tpu.vector_store %arg8[%swap3A_40], %sub3A {strides = array<i32>} : memref<16384xf32, #tpu.memory_space<vmem>>, vector<16384xf32>,
    return
  }
  func.func @transform_0(%arg0: i32) -> i32 {
    %c0_i32 = arith.constant 0 : i32
    %c0_i32_0 = arith.constant 0 : i32
    return %c0_i32 : i32
  }
  func.func @transform_1(%arg0: i32) -> i32 {
    %c0_i32 = arith.constant 0 : i32
    return %arg0 : i32
  }
  func.func @transform_2(%arg0: i32) -> i32 {
    %c0_i32 = arith.constant 0 : i32
    return %arg0 : i32
  }
  func.func @transform_3(%arg0: i32) -> i32 {
    %c0_i32 = arith.constant 0 : i32
    return %arg0 : i32
  }
  func.func @transform_4(%arg0: i32) -> i32 {
    %c0_i32 = arith.constant 0 : i32
    return %arg0 : i32
  }
  func.func @transform_5(%arg0: i32) -> i32 {
    %c0_i32 = arith.constant 0 : i32
    return %arg0 : i32
  }
  func.func @transform_6(%arg0: i32) -> i32 {
    %c0_i32 = arith.constant 0 : i32
    return %arg0 : i32
  }
  func.func @transform_7(%arg0: i32) -> i32 {
    %c0_i32 = arith.constant 0 : i32
    return %arg0 : i32
  }
}

module attributes {stable_mosaic.version = 14 : i64} {
  func.func @_tc_row_body(%arg0: i32, %arg1: memref<5xf32, #tpu.memory_space<smem>>, %arg2: memref<2048x128xf32, #tpu.memory_space<vmem>>, %arg3: memref<2048x128xf32, #tpu.memory_space<vmem>>, %arg4: memref<2048xi32, #tpu.memory_space<vmem>>, %arg5: memref<2048xi32, #tpu.memory_space<vmem>>, %arg6: memref<2048x50xf32, #tpu.memory_space<vmem>>, %arg7: memref<2048xf32, #tpu.memory_space<vmem>>, %arg8: memref<2048xf32, #tpu.memory_space<vmem>>) attributes {dimension_semantics = [#tpu.dimension_semantics<arbitrary>], iteration_bounds = array<i64: 8>, scalar_prefetch = 0 : i64, scratch_operands = 0 : i64, tpu.core_type = #tpu.core_type<tc>, window_params = [{transform_indices = @transform_0, window_bounds = array<i64: 5>}, {transform_indices = @transform_1, window_bounds = array<i64: 2048, 128>}, {transform_indices = @transform_2, window_bounds = array<i64: 2048, 128>}, {transform_indices = @transform_3, window_bounds = array<i64: 2048>}, {transform_indices = @transform_4, window_bounds = array<i64: 2048>}, {transform_indices = @transform_5, window_bounds = array<i64: 2048, 50>}, {transform_indices = @transform_6, window_bounds = array<i64: 2048>}, {transform_indices = @transform_7, window_bounds = array<i64: 2048>}]} {
    %get3A = arith.constant 0 : index
    %get3A_0 = vector.load %arg4[%get3A] : memref<2048xi32, #tpu.memory_space<vmem>>, vector<2048xi32>
    %get3A_1 = arith.constant 0 : index
    %get3A_2 = vector.load %arg5[%get3A_1] : memref<2048xi32, #tpu.memory_space<vmem>>, vector<2048xi32>
    %get3A_3 = arith.constant 0 : index
    %get3A_4 = arith.constant 0 : index
    %get3A_5 = vector.load %arg2[%get3A_3, %get3A_4] : memref<2048x128xf32, #tpu.memory_space<vmem>>, vector<2048x128xf32>
    %get3A_6 = arith.constant 0 : index
    %get3A_7 = arith.constant 0 : index
    %get3A_8 = vector.load %arg3[%get3A_6, %get3A_7] : memref<2048x128xf32, #tpu.memory_space<vmem>>, vector<2048x128xf32>
    %broadcast_in_dim3A = arith.constant 0.000000e+00 : f32
    %broadcast_in_dim3A_9 = vector.broadcast %broadcast_in_dim3A : f32 to vector<2048x32xf32>
    %broadcast_in_dim3A_10 = arith.constant 0.000000e+00 : f32
    %broadcast_in_dim3A_11 = vector.broadcast %broadcast_in_dim3A_10 : f32 to vector<2048x32xf32>
    %eq3A = arith.constant 0 : i32
    %eq3A_12 = vector.broadcast %eq3A : i32 to vector<2048xi32>
    %eq3A_13 = arith.cmpi eq, %get3A_0, %eq3A_12 : vector<2048xi32>
    %convert_element_type3A = arith.extui %eq3A_13 : vector<2048xi1> to vector<2048xi32>
    %convert_element_type3A_14 = arith.sitofp %convert_element_type3A : vector<2048xi32> to vector<2048xf32>
    %broadcast_in_dim3A_15 = vector.shape_cast %convert_element_type3A_14 : vector<2048xf32> to vector<2048x1xf32>
    %eq3A_16 = arith.constant 0 : i32
    %eq3A_17 = vector.broadcast %eq3A_16 : i32 to vector<2048xi32>
    %eq3A_18 = arith.cmpi eq, %get3A_2, %eq3A_17 : vector<2048xi32>
    %convert_element_type3A_19 = arith.extui %eq3A_18 : vector<2048xi1> to vector<2048xi32>
    %convert_element_type3A_20 = arith.sitofp %convert_element_type3A_19 : vector<2048xi32> to vector<2048xf32>
    %broadcast_in_dim3A_21 = vector.shape_cast %convert_element_type3A_20 : vector<2048xf32> to vector<2048x1xf32>
    %slice3A = vector.extract_strided_slice %get3A_5 {offsets = [0, 0], sizes = [2048, 32], strides = [1, 1]} : vector<2048x128xf32> to vector<2048x32xf32>
    %mul3A = vector.broadcast %broadcast_in_dim3A_15 : vector<2048x1xf32> to vector<2048x32xf32>
    %mul3A_22 = arith.mulf %mul3A, %slice3A : vector<2048x32xf32>
    %add3A = arith.addf %broadcast_in_dim3A_9, %mul3A_22 : vector<2048x32xf32>
    %slice3A_23 = vector.extract_strided_slice %get3A_8 {offsets = [0, 0], sizes = [2048, 32], strides = [1, 1]} : vector<2048x128xf32> to vector<2048x32xf32>
    %mul3A_24 = vector.broadcast %broadcast_in_dim3A_21 : vector<2048x1xf32> to vector<2048x32xf32>
    %mul3A_25 = arith.mulf %mul3A_24, %slice3A_23 : vector<2048x32xf32>
    %add3A_26 = arith.addf %broadcast_in_dim3A_11, %mul3A_25 : vector<2048x32xf32>
    %eq3A_27 = arith.constant 1 : i32
    %eq3A_28 = vector.broadcast %eq3A_27 : i32 to vector<2048xi32>
    %eq3A_29 = arith.cmpi eq, %get3A_0, %eq3A_28 : vector<2048xi32>
    %convert_element_type3A_30 = arith.extui %eq3A_29 : vector<2048xi1> to vector<2048xi32>
    %convert_element_type3A_31 = arith.sitofp %convert_element_type3A_30 : vector<2048xi32> to vector<2048xf32>
    %broadcast_in_dim3A_32 = vector.shape_cast %convert_element_type3A_31 : vector<2048xf32> to vector<2048x1xf32>
    %eq3A_33 = arith.constant 1 : i32
    %eq3A_34 = vector.broadcast %eq3A_33 : i32 to vector<2048xi32>
    %eq3A_35 = arith.cmpi eq, %get3A_2, %eq3A_34 : vector<2048xi32>
    %convert_element_type3A_36 = arith.extui %eq3A_35 : vector<2048xi1> to vector<2048xi32>
    %convert_element_type3A_37 = arith.sitofp %convert_element_type3A_36 : vector<2048xi32> to vector<2048xf32>
    %broadcast_in_dim3A_38 = vector.shape_cast %convert_element_type3A_37 : vector<2048xf32> to vector<2048x1xf32>
    %slice3A_39 = vector.extract_strided_slice %get3A_5 {offsets = [0, 32], sizes = [2048, 32], strides = [1, 1]} : vector<2048x128xf32> to vector<2048x32xf32>
    %mul3A_40 = vector.broadcast %broadcast_in_dim3A_32 : vector<2048x1xf32> to vector<2048x32xf32>
    %mul3A_41 = arith.mulf %mul3A_40, %slice3A_39 : vector<2048x32xf32>
    %add3A_42 = arith.addf %add3A, %mul3A_41 : vector<2048x32xf32>
    %slice3A_43 = vector.extract_strided_slice %get3A_8 {offsets = [0, 32], sizes = [2048, 32], strides = [1, 1]} : vector<2048x128xf32> to vector<2048x32xf32>
    %mul3A_44 = vector.broadcast %broadcast_in_dim3A_38 : vector<2048x1xf32> to vector<2048x32xf32>
    %mul3A_45 = arith.mulf %mul3A_44, %slice3A_43 : vector<2048x32xf32>
    %add3A_46 = arith.addf %add3A_26, %mul3A_45 : vector<2048x32xf32>
    %eq3A_47 = arith.constant 2 : i32
    %eq3A_48 = vector.broadcast %eq3A_47 : i32 to vector<2048xi32>
    %eq3A_49 = arith.cmpi eq, %get3A_0, %eq3A_48 : vector<2048xi32>
    %convert_element_type3A_50 = arith.extui %eq3A_49 : vector<2048xi1> to vector<2048xi32>
    %convert_element_type3A_51 = arith.sitofp %convert_element_type3A_50 : vector<2048xi32> to vector<2048xf32>
    %broadcast_in_dim3A_52 = vector.shape_cast %convert_element_type3A_51 : vector<2048xf32> to vector<2048x1xf32>
    %eq3A_53 = arith.constant 2 : i32
    %eq3A_54 = vector.broadcast %eq3A_53 : i32 to vector<2048xi32>
    %eq3A_55 = arith.cmpi eq, %get3A_2, %eq3A_54 : vector<2048xi32>
    %convert_element_type3A_56 = arith.extui %eq3A_55 : vector<2048xi1> to vector<2048xi32>
    %convert_element_type3A_57 = arith.sitofp %convert_element_type3A_56 : vector<2048xi32> to vector<2048xf32>
    %broadcast_in_dim3A_58 = vector.shape_cast %convert_element_type3A_57 : vector<2048xf32> to vector<2048x1xf32>
    %slice3A_59 = vector.extract_strided_slice %get3A_5 {offsets = [0, 64], sizes = [2048, 32], strides = [1, 1]} : vector<2048x128xf32> to vector<2048x32xf32>
    %mul3A_60 = vector.broadcast %broadcast_in_dim3A_52 : vector<2048x1xf32> to vector<2048x32xf32>
    %mul3A_61 = arith.mulf %mul3A_60, %slice3A_59 : vector<2048x32xf32>
    %add3A_62 = arith.addf %add3A_42, %mul3A_61 : vector<2048x32xf32>
    %slice3A_63 = vector.extract_strided_slice %get3A_8 {offsets = [0, 64], sizes = [2048, 32], strides = [1, 1]} : vector<2048x128xf32> to vector<2048x32xf32>
    %mul3A_64 = vector.broadcast %broadcast_in_dim3A_58 : vector<2048x1xf32> to vector<2048x32xf32>
    %mul3A_65 = arith.mulf %mul3A_64, %slice3A_63 : vector<2048x32xf32>
    %add3A_66 = arith.addf %add3A_46, %mul3A_65 : vector<2048x32xf32>
    %eq3A_67 = arith.constant 3 : i32
    %eq3A_68 = vector.broadcast %eq3A_67 : i32 to vector<2048xi32>
    %eq3A_69 = arith.cmpi eq, %get3A_0, %eq3A_68 : vector<2048xi32>
    %convert_element_type3A_70 = arith.extui %eq3A_69 : vector<2048xi1> to vector<2048xi32>
    %convert_element_type3A_71 = arith.sitofp %convert_element_type3A_70 : vector<2048xi32> to vector<2048xf32>
    %broadcast_in_dim3A_72 = vector.shape_cast %convert_element_type3A_71 : vector<2048xf32> to vector<2048x1xf32>
    %eq3A_73 = arith.constant 3 : i32
    %eq3A_74 = vector.broadcast %eq3A_73 : i32 to vector<2048xi32>
    %eq3A_75 = arith.cmpi eq, %get3A_2, %eq3A_74 : vector<2048xi32>
    %convert_element_type3A_76 = arith.extui %eq3A_75 : vector<2048xi1> to vector<2048xi32>
    %convert_element_type3A_77 = arith.sitofp %convert_element_type3A_76 : vector<2048xi32> to vector<2048xf32>
    %broadcast_in_dim3A_78 = vector.shape_cast %convert_element_type3A_77 : vector<2048xf32> to vector<2048x1xf32>
    %slice3A_79 = vector.extract_strided_slice %get3A_5 {offsets = [0, 96], sizes = [2048, 32], strides = [1, 1]} : vector<2048x128xf32> to vector<2048x32xf32>
    %mul3A_80 = vector.broadcast %broadcast_in_dim3A_72 : vector<2048x1xf32> to vector<2048x32xf32>
    %mul3A_81 = arith.mulf %mul3A_80, %slice3A_79 : vector<2048x32xf32>
    %add3A_82 = arith.addf %add3A_62, %mul3A_81 : vector<2048x32xf32>
    %slice3A_83 = vector.extract_strided_slice %get3A_8 {offsets = [0, 96], sizes = [2048, 32], strides = [1, 1]} : vector<2048x128xf32> to vector<2048x32xf32>
    %mul3A_84 = vector.broadcast %broadcast_in_dim3A_78 : vector<2048x1xf32> to vector<2048x32xf32>
    %mul3A_85 = arith.mulf %mul3A_84, %slice3A_83 : vector<2048x32xf32>
    %add3A_86 = arith.addf %add3A_66, %mul3A_85 : vector<2048x32xf32>
    %sub3A = arith.subf %add3A_86, %add3A_82 : vector<2048x32xf32>
    %abs3A = math.absf %sub3A : vector<2048x32xf32>
    %reduce_sum3A = arith.constant dense<0.000000e+00> : vector<2048xf32>
    %reduce_sum3A_87 = vector.multi_reduction <add>, %abs3A, %reduce_sum3A [1] : vector<2048x32xf32> to vector<2048xf32>
    %swap3A = arith.constant 0 : index
    %swap3A_88 = vector.load %arg7[%swap3A] : memref<2048xf32, #tpu.memory_space<vmem>>, vector<2048xf32>
    tpu.vector_store %arg7[%swap3A], %reduce_sum3A_87 {strides = array<i32>} : memref<2048xf32, #tpu.memory_space<vmem>>, vector<2048xf32>,
    %get3A_89 = arith.constant 0 : index
    %get3A_90 = arith.constant 0 : index
    %get3A_91 = vector.load %arg6[%get3A_89, %get3A_90] : memref<2048x50xf32, #tpu.memory_space<vmem>>, vector<2048x50xf32>
    %gt3A = arith.constant 0.000000e+00 : f32
    %gt3A_92 = vector.broadcast %gt3A : f32 to vector<2048x50xf32>
    %gt3A_93 = arith.cmpf ogt, %get3A_91, %gt3A_92 : vector<2048x50xf32>
    %convert_element_type3A_94 = arith.extui %gt3A_93 : vector<2048x50xi1> to vector<2048x50xi32>
    %convert_element_type3A_95 = arith.sitofp %convert_element_type3A_94 : vector<2048x50xi32> to vector<2048x50xf32>
    %mul3A_96 = arith.mulf %get3A_91, %convert_element_type3A_95 : vector<2048x50xf32>
    %get3A_97 = arith.constant 0 : index
    %get3A_98 = memref.load %arg1[%get3A_97] : memref<5xf32, #tpu.memory_space<smem>>
    %add3A_99 = vector.broadcast %get3A_98 : f32 to vector<2048x50xf32>
    %add3A_100 = arith.addf %mul3A_96, %add3A_99 : vector<2048x50xf32>
    %rsqrt3A = math.rsqrt %add3A_100 : vector<2048x50xf32>
    %mul3A_101 = arith.mulf %rsqrt3A, %convert_element_type3A_95 : vector<2048x50xf32>
    %reduce_sum3A_102 = arith.constant dense<0.000000e+00> : vector<2048xf32>
    %reduce_sum3A_103 = vector.multi_reduction <add>, %mul3A_101, %reduce_sum3A_102 [1] : vector<2048x50xf32> to vector<2048xf32>
    %swap3A_104 = arith.constant 0 : index
    %swap3A_105 = vector.load %arg8[%swap3A_104] : memref<2048xf32, #tpu.memory_space<vmem>>, vector<2048xf32>
    tpu.vector_store %arg8[%swap3A_104], %reduce_sum3A_103 {strides = array<i32>} : memref<2048xf32, #tpu.memory_space<vmem>>, vector<2048xf32>,
    return
  }
  func.func @transform_0(%arg0: i32) -> i32 {
    %c0_i32 = arith.constant 0 : i32
    %c0_i32_0 = arith.constant 0 : i32
    return %c0_i32 : i32
  }
  func.func @transform_1(%arg0: i32) -> (i32, i32) {
    %c0_i32 = arith.constant 0 : i32
    %c0_i32_0 = arith.constant 0 : i32
    return %arg0, %c0_i32 : i32, i32
  }
  func.func @transform_2(%arg0: i32) -> (i32, i32) {
    %c0_i32 = arith.constant 0 : i32
    %c0_i32_0 = arith.constant 0 : i32
    return %arg0, %c0_i32 : i32, i32
  }
  func.func @transform_3(%arg0: i32) -> i32 {
    %c0_i32 = arith.constant 0 : i32
    return %arg0 : i32
  }
  func.func @transform_4(%arg0: i32) -> i32 {
    %c0_i32 = arith.constant 0 : i32
    return %arg0 : i32
  }
  func.func @transform_5(%arg0: i32) -> (i32, i32) {
    %c0_i32 = arith.constant 0 : i32
    %c0_i32_0 = arith.constant 0 : i32
    return %arg0, %c0_i32 : i32, i32
  }
  func.func @transform_6(%arg0: i32) -> i32 {
    %c0_i32 = arith.constant 0 : i32
    return %arg0 : i32
  }
  func.func @transform_7(%arg0: i32) -> i32 {
    %c0_i32 = arith.constant 0 : i32
    return %arg0 : i32
  }
}

</mosaic_0001>

<sc_bundles>
// kernel: _run.5.cloned.1.call-start
scs
__scs_entry_jumppad:
0x0: {  	(pc) =	sbr.rel $0x88, $3  }
0x1: {  	(tag) =	ssettag $0x0;
	lr =	simm.s32 $0x1  }
0x2: {  	[smem:$0x3F94] =	sst lr;
	_ =	strace $0xD0000000  }
0x3: {  	_ = 	snop  }
0x4: {  	_ = 	snop  }
0x5: {  	_ = 	snop  }
0x6: {  	_ = 	snop  }
0x7: {  	_ = 	snop  }
__scs_overlays_trampoline_lowered:
0x8: {  	[smem:$0x3FA3] =	sst s0  }
0x9: {  	[smem:$0x3FA4] =	sst s1  }
0xa: {  	[smem:$0x3FA5] =	sst s2  }
0xb: {  	[smem:$0x3FA6] =	sst s3  }
0xc: {  	[smem:$0x3FA7] =	sst s4  }
0xd: {  	[smem:$0x3FA8] =	sst s5  }
0xe: {  	[smem:$0x3FA9] =	sst s6  }
0xf: {  	[smem:$0x3FAA] =	sst s7  }
0x10: {  	[smem:$0x3FAB] =	sst s8  }
0x11: {  	[smem:$0x3FAC] =	sst s9;
	s0 =	simm.s32 @!p0 $0x0  }
0x12: {  	s1 =	sld [smem:$0x3F92];
	s0 =	simm.s32 @p0 $0x1  }
0x13: {  	[smem:$0x3FAD] =	sst s0;
	s0 =	simm.s32 @!p1 $0x0  }
0x14: {  	s2 =	sld [smem:$0x3F91];
	s0 =	simm.s32 @p1 $0x1  }
0x15: {  	[smem:$0x3FAE] =	sst s0;
	s0 =	simm.s32 @!p2 $0x0  }
0x16: {  	s3 =	sld [smem:$0x3FDB];
	s0 =	simm.s32 @p2 $0x1  }
0x17: {  	s4 =	simm.s32 $0x1BF5;
	[smem:$0x3FB0] =	sst s0  }
0x18: {  	s0 =	sld [smem:$0x3F93];
	_ =	swait.ge [sflag:s4], $0x0  }
0x19: {  	s7 =	sld [smem:$0x3F94]  }
0x1a: {  	s8 =	sadd.s32 $0xFFFFE003, lr  }
0x1b: {  	s9 =	sadd.s32 $0xFFFFFEF7, lr;
	s5 =	simm.s32 $0xFFFFFFFF;
	p2 =	slt.u32 s8, $0xFFFFF086  }
0x1c: {  	p1 =	slt.u32 s9, $0xF7A;
	s5 =	simm.s32 @!p2 $0x0  }
0x1d: {  	s5 =	simm.s32 @p1 $0x1;
	p0 =	seq.s32 s7, s2  }
0x1e: {  	s7 =	smul.u32 @!p0 $0xF7A, s2;
	p2 =	seq.s32 @!p0 s5, $0x0  }
0x1f: {  	s9 =	smul.u32 $0xF7A, s1;
	s8 =	simm.s32 @!p0 $0x1BF5;
	p2 =	por !p2, p0  }
0x20: {  	[sflag:s8] =	ssyncset.s32 @!p0 $0xFFFFF086;
	s6 =	sadd.s32 @!p0 s3, s7;
	s7 =	simm.s32 @!p0 $0x108  }
0x21: {  	s3 =	sadd.s32 s3, s9;
	s6 =	sadd.s32 @!p0 $0x88, s6;
	s7 =	simm.s32 @p2 $0x1082  }
0x22: {  	[simem:s7], [sflag:s8] =	dma.local @!p0 [hbm:s6], $0xF7A  }
0x23: {  	s9 =	sor.u32 $0xD0000000, s2;
	s6 =	simm.s32 $0x108;
	_ =	swait.ge @!p0 [sflag:s8], $0x0  }
0x24: {  	s3 =	sadd.s32 $0x88, s3;
	s6 =	simm.s32 @!p1 $0x1082;
	[sflag:s4] =	ssyncset.s32 $0xFFFFF086  }
0x25: {  	[simem:s6], [sflag:s4] =	dma.local [hbm:s3], $0xF7A  }
0x26: {  	[smem:$0x3F94] =	sst s1;
	(tag) =	ssettag s2;
	_ =	strace s9  }
0x27: {  	s1 =	sld [smem:$0x3FA4]  }
0x28: {  	s2 =	sld [smem:$0x3FA5]  }
0x29: {  	s4 =	sld [smem:$0x3FA7]  }
0x2a: {  	p0 =	seq.s32 s5, $0x0;
	s5 =	sld [smem:$0x3FA8]  }
0x2b: {  	s6 =	sld [smem:$0x3FA9]  }
0x2c: {  	s7 =	sld [smem:$0x3FAA]  }
0x2d: {  	s3 =	simm.s32 $0x108;
	s8 =	sld [smem:$0x3FAB]  }
0x2e: {  	s3 =	simm.s32 @!p0 $0x1082;
	s9 =	sld [smem:$0x3FAC]  }
0x2f: {  	lr =	sadd.s32 s0, s3;
	s0 =	sld [smem:$0x3FA3]  }
0x30: {  	s3 =	sld [smem:$0x3FA6]  }
0x31: {  	[smem:$0x3FAF] =	sst s10  }
0x32: {  	s10 =	sld [smem:$0x3FAD];
	_ =	sdelay $0x3  }
0x33: {  	p0 =	seq.s32 s10, $0x1;
	s10 =	sld [smem:$0x3FAF];
	_ =	sdelay $0x3  }
0x34: {  	[smem:$0x3FAF] =	sst s10  }
0x35: {  	s10 =	sld [smem:$0x3FAE];
	_ =	sdelay $0x3  }
0x36: {  	p1 =	seq.s32 s10, $0x1;
	s10 =	sld [smem:$0x3FAF];
	_ =	sdelay $0x3  }
0x37: {  	[smem:$0x3FAF] =	sst s10  }
0x38: {  	s10 =	sld [smem:$0x3FB0]  }
0x39: {  	_ = 	snop;
	(pc) =	sbr.ind lr, $3  }
0x3a: {  	_ = 	snop  }
0x3b: {  	_ = 	snop  }
0x3c: {  	p2 =	seq.s32 s10, $0x1;
	s10 =	sld [smem:$0x3FAF]  }
0x3d: {  	_ =	shalt  }
0x3e: {  	_ =	shalt  }
0x3f: {  	_ =	shalt  }
0x40: {  	_ =	shalt  }
0x41: {  	_ =	shalt  }
0x42: {  	_ =	shalt  }
0x43: {  	_ =	shalt  }
0x44: {  	_ =	shalt  }
0x45: {  	_ =	shalt  }
0x46: {  	_ =	shalt  }
0x47: {  	_ =	shalt  }
0x48: {  	_ =	shalt  }
0x49: {  	_ =	shalt  }
0x4a: {  	_ =	shalt  }
0x4b: {  	_ =	shalt  }
0x4c: {  	_ =	shalt  }
0x4d: {  	_ =	shalt  }
0x4e: {  	_ =	shalt  }
0x4f: {  	_ =	shalt  }
0x50: {  	_ =	shalt  }
0x51: {  	_ =	shalt  }
0x52: {  	_ =	shalt  }
0x53: {  	_ =	shalt  }
0x54: {  	_ =	shalt  }
0x55: {  	_ =	shalt  }
0x56: {  	_ =	shalt  }
0x57: {  	_ =	shalt  }
0x58: {  	_ =	shalt  }
0x59: {  	_ =	shalt  }
0x5a: {  	_ =	shalt  }
0x5b: {  	_ =	shalt  }
0x5c: {  	_ =	shalt  }
0x5d: {  	_ =	shalt  }
0x5e: {  	_ =	shalt  }
0x5f: {  	_ =	shalt  }
0x60: {  	_ =	shalt  }
0x61: {  	_ =	shalt  }
0x62: {  	_ =	shalt  }
0x63: {  	_ =	shalt  }
0x64: {  	_ =	shalt  }
0x65: {  	_ =	shalt  }
0x66: {  	_ =	shalt  }
0x67: {  	_ =	shalt  }
0x68: {  	_ =	shalt  }
0x69: {  	_ =	shalt  }
0x6a: {  	_ =	shalt  }
0x6b: {  	_ =	shalt  }
0x6c: {  	_ =	shalt  }
0x6d: {  	_ =	shalt  }
0x6e: {  	_ =	shalt  }
0x6f: {  	_ =	shalt  }
0x70: {  	_ =	shalt  }
0x71: {  	_ =	shalt  }
0x72: {  	_ =	shalt  }
0x73: {  	_ =	shalt  }
0x74: {  	_ =	shalt  }
0x75: {  	_ =	shalt  }
0x76: {  	_ =	shalt  }
0x77: {  	_ =	shalt  }
0x78: {  	_ =	shalt  }
0x79: {  	_ =	shalt  }
0x7a: {  	_ =	shalt  }
0x7b: {  	_ =	shalt  }
0x7c: {  	_ =	shalt  }
0x7d: {  	_ =	shalt  }
0x7e: {  	_ =	shalt  }
0x7f: {  	_ =	shalt  }
0x80: {  	_ =	shalt  }
0x81: {  	_ =	shalt  }
0x82: {  	_ =	shalt  }
0x83: {  	_ =	shalt  }
0x84: {  	_ =	shalt  }
0x85: {  	_ =	shalt  }
0x86: {  	_ =	shalt  }
0x87: {  	_ =	shalt  }
.Lfunc_end0:
.L_simem_size_0:
called_computation_lowered:
.L_overlay_start_0:
0x88: {  	s2 =	sld [smem:$0x3FD9]  }
0x89: {  	s3 =	sld [smem:$0x3FFE];
	_ =	sdelay $0x1  }
0x8a: {  	s1 =	srdreg.scid  }
0x8b: {  	s0 =	sand.u32 $0x1, s1  }
0x8c: {  	s28 =	sshll.u32 s0, $0xA;
	s2 =	sadd.s32 s3, s2  }
0x8d: {  	s2 =	sadd.s32 s2, s28  }
0x8e: {  	[smem:$0x3FBB] =	sst s2  }
0x8f: {  	_ = 	snop  }
0x90: {  	s4 =	sld [smem:$0x3FC9]  }
0x91: {  	s5 =	sld [smem:$0x3FC8]  }
0x92: {  	s6 =	sld [smem:$0x3FC7]  }
0x93: {  	s7 =	sld [smem:$0x3FC6]  }
0x94: {  	s2 =	sld [smem:$0x3FC2]  }
0x95: {  	s29 =	sld [smem:$0x3FC1]  }
0x96: {  	s8 =	sld [smem:$0x3FD0]  }
0x97: {  	s9 =	sld [smem:$0x3FC0]  }
0x98: {  	s10 =	sld [smem:$0x3FBF]  }
0x99: {  	s12 =	simm.s32 $0xA;
	s13 =	simm.s32 $0x10;
	s11 =	sld [smem:$0x3FBE]  }
0x9a: {  	[smem:s13], [sflag:s12] =	dma.local [hbm:s8], $0x1  }
0x9b: {  	_ =	swait.eq [sflag:s12], $0x1  }
0x9c: {  	[sflag:s12] =	ssyncset.done $0x0  }
0x9d: {  	s30 =	sld [smem:$0x10];
	[sflag:s12] =	ssyncadd.s32 $0xFFFFFFFF  }
0x9e: {  	s31 =	sld [smem:$0x11];
	(tm) =	ssettm $0x1  }
0x9f: {  	s18 =	sld [smem:$0x3FFB];
	_ =	sdelay $0x3  }
0xa0: {  	_ =	strace s18  }
0xa1: {  	s13 =	sld [smem:$0x3FFC];
	_ =	sdelay $0x3  }
0xa2: {  	_ =	strace s13  }
0xa3: {  	s13 =	sld [smem:$0x3FFD];
	_ =	sdelay $0x3  }
0xa4: {  	_ =	strace s13  }
0xa5: {  	_ =	strace $0x8FFFFFFF  }
0xa6: {  	s19 =	sld [smem:$0x3FDB];
	_ =	sdelay $0x1  }
0xa7: {  	s14 =	simm.s32 $_scs_section_size  }
0xa8: {  	s15 =	simm.s32 $_size__tile_overlayer_lowered;
	s16 =	simm.s32 $_tile_overlayer_lowered  }
0xa9: {  	s22 =	simm.s32 $0x1BFF;
	s21 =	sshll.u32 s16, $0x1;
	s13 =	sadd.s32 s14, s19  }
0xaa: {  	s17 =	simm.s32 $0x0;
	s20 =	sshll.u32 s15, $0x1;
	s15 =	sadd.s32 s21, s13  }
0xab: {  	[timem:s17], [sflag:s22] =	dma.local [hbm:s15], s20  }
0xac: {  	_ =	swait.ge [sflag:s22], s20  }
0xad: {  	s14 =	ssub.s32 $0x0, s20;
	[sflag:s22] =	ssyncset.done $0x0  }
0xae: {  	[sflag:s22] =	ssyncadd.s32 s14;
	_ =	sdelay $0x1  }
0xaf: {  	s23 =	simm.s32 $0x1B8B  }
0xb0: {  	_ =	swait.ge [sflag:s23], $0x1  }
0xb1: {  	[sflag:s23] =	ssyncset.done $0x0  }
0xb2: {  	s25 =	simm.s32 $0x1B8E;
	s24 =	sld [smem:$0x3FFE];
	[sflag:s23] =	ssyncadd.s32 $0xFFFFFFFF  }
0xb3: {  	s26 =	simm.s32 $execute0_lowered;
	[smem:$0x3FD2] =	sst s25  }
0xb4: {  	s15 =	sshll.u32 s26, $0x1;
	_ =	strace $0x80000046;
	[dreg:$0x1] =	wrdreg $0xFFFFFFFF  }
0xb5: {  	s28 =	simm.s32 $_size_execute0_lowered;
	s13 =	sadd.s32 s13, s15;
	[dreg:$0x0] =	wrdreg $0x0  }
0xb6: {  	s15 =	sshll.u32 s28, $0x1;
	[dreg:$0x2] =	wrdreg s13  }
0xb7: {  	[dreg:$0x3] =	wrdreg s15  }
0xb8: {  	[dreg:$0x4] =	wrdreg $0xC0  }
0xb9: {  	_ =	task [dreg:s17], $0x5FFFF  }
0xba: {  	[dreg:$0x1] =	wrdreg $0xFFFFFFFF  }
0xbb: {  	[dreg:$0x0] =	wrdreg $0x60  }
0xbc: {  	[dreg:$0x2] =	wrdreg s4  }
0xbd: {  	[dreg:$0x3] =	wrdreg s5  }
0xbe: {  	[dreg:$0x4] =	wrdreg s6  }
0xbf: {  	[dreg:$0x5] =	wrdreg s7  }
0xc0: {  	[dreg:$0x6] =	wrdreg s9  }
0xc1: {  	[dreg:$0x7] =	wrdreg s10  }
0xc2: {  	[dreg:$0x8] =	wrdreg s11  }
0xc3: {  	[dreg:$0x9] =	wrdreg s2  }
0xc4: {  	[dreg:$0xa] =	wrdreg s29  }
0xc5: {  	[dreg:$0xb] =	wrdreg s31  }
0xc6: {  	[dreg:$0xc] =	wrdreg s30  }
0xc7: {  	[dreg:$0xd] =	wrdreg s24  }
0xc8: {  	[dreg:$0xe] =	wrdreg $0x9  }
0xc9: {  	_ =	task.clear_ibuf [dreg:s17], $0xFFFFF;
	_ =	strace $0x90000046  }
0xca: {  	s29 =	simm.s32 $0x9;
	_ =	strace $0x80000048  }
0xcb: {  	_ =	swait.ge [sflag:s29], $0x1  }
0xcc: {  	[sflag:s29] =	ssyncadd.s32 $0xFFFFFFFF  }
0xcd: {  	_ =	strace $0x90000048  }
0xce: {  	_ =	sfence  }
0xcf: {  	s30 =	sld [smem:$0x0];
	_ =	sdelay $0x2  }
0xd0: {  	s31 =	sshll.u32 s1, $0xD;
	s1 =	sshrl.u32 s1, $0x2  }
0xd1: {  	s3 =	sand.u32 $0x4000, s31;
	s1 =	sadd.s32 s1, s30  }
0xd2: {  	s0 =	sor.u32 s3, s0;
	s1 =	sshll.u32 s1, $0x11  }
0xd3: {  	s0 =	sor.u32 s1, s0  }
0xd4: {  	s0 =	sadd.s32 $0x8F2B, s0  }
0xd5: {  	[sflag:s0] =	ssyncadd.remote.s32 $0x1  }
0xd6: {  	_ =	sfence.sel $0xFFFF  }
0xd7: {  	[dreg:$0x0] =	wrdreg $0xFFFFFFFF;
	(pc) =	sbr.abs _section_cstart, $3  }
0xd8: {  	[dreg:$0x1] =	wrdreg $0xFFFFFFFF  }
0xd9: {  	_ =	task.clear_ibuf [dreg:s17], $0x2FFFF;
	_ =	strace $0x9FFFFFFF  }
0xda: {  	(tm) =	ssettm $0x7FFFFFFF  }
0xdb: {  	_ =	shalt  }
tec
execute0_lowered:
.L_overlay_start_1:
0x0: {  	(tag) =	ssettag $0x1  }
0x1: {  	s0 =	rddreg [dreg:$0x0]  }
0x2: {  	s5 =	rddreg [dreg:$0x1]  }
0x3: {  	s6 =	rddreg [dreg:$0x2]  }
0x4: {  	s7 =	rddreg [dreg:$0x3]  }
0x5: {  	s20 =	rddreg [dreg:$0x4]  }
0x6: {  	s18 =	rddreg [dreg:$0x5]  }
0x7: {  	s19 =	rddreg [dreg:$0x6]  }
0x8: {  	s3 =	rddreg [dreg:$0x7];
	s1 =	srdreg.scid  }
0x9: {  	s4 =	rddreg [dreg:$0x8];
	s13 =	stileid.u32;
	s1 =	sand.u32 $0x1, s1  }
0xa: {  	s8 =	rddreg [dreg:$0x9];
	s11 =	sshll.u32 s13, $0xA;
	s12 =	sshll.u32 s1, $0x9  }
0xb: {  	s9 =	rddreg [dreg:$0xa];
	s11 =	sor.u32 s12, s11  }
0xc: {  	s10 =	rddreg [dreg:$0xb];
	s2 =	simm.s32 $0x0;
	s12 =	sshrl.u32 s11, $0x3  }
0xd: {  	[smem:$0x7FF] =	sst s2;
	s0 =	sadd.s32 s0, s12  }
0xe: {  	_ =	strace $0x80000047;
	s23 =	sadd.s32 s5, s12;
	[dreg:$0xd] =	wrdreg s0  }
0xf: {  	s24 =	sadd.s32 s6, s12;
	[dreg:$0xe] =	wrdreg s23  }
0x10: {  	s25 =	sadd.s32 s7, s12;
	[dreg:$0xf] =	wrdreg s24  }
0x11: {  	s26 =	sadd.s32 s12, s10;
	s7 =	sadd.s32 s8, s12;
	[dreg:$0x10] =	wrdreg s25  }
0x12: {  	s6 =	sadd.s32 $0x1C00, s10;
	s8 =	sadd.s32 s9, s12;
	[dreg:$0x11] =	wrdreg s7  }
0x13: {  	s5 =	sshll.u32 s11, $0x4;
	[dreg:$0x12] =	wrdreg s8;
	s9 =	sadd.s32 $0x81C00, s26  }
0x14: {  	s7 =	sadd.s32 $0x41C00, s10;
	s10 =	sadd.s32 s6, s5;
	[dreg:$0x13] =	wrdreg s9  }
0x15: {  	[dreg:$0x14] =	wrdreg s10  }
0x16: {  	s12 =	sor.u32 $0x400, s5;
	s11 =	sadd.s32 s7, s5;
	s0 =	rddreg [dreg:$0xd]  }
0x17: {  	s14 =	sadd.s32 s6, s12;
	[dreg:$0x15] =	wrdreg s11  }
0x18: {  	s16 =	sor.u32 $0x800, s5;
	s15 =	sadd.s32 s7, s12;
	[dreg:$0x16] =	wrdreg s14  }
0x19: {  	s17 =	sadd.s32 s6, s16;
	[dreg:$0x17] =	wrdreg s15  }
0x1a: {  	s22 =	sor.u32 $0xC00, s5;
	s21 =	sadd.s32 s7, s16;
	[dreg:$0x18] =	wrdreg s17  }
0x1b: {  	s23 =	sadd.s32 s6, s22;
	[dreg:$0x19] =	wrdreg s21  }
0x1c: {  	s25 =	sor.u32 $0x1000, s5;
	s24 =	sadd.s32 s7, s22;
	[dreg:$0x1a] =	wrdreg s23  }
0x1d: {  	s29 =	simm.s32 $0x200;
	s26 =	sadd.s32 s6, s25;
	[dreg:$0x1b] =	wrdreg s24  }
0x1e: {  	s28 =	simm.s32 $0x80;
	s8 =	sadd.s32 s7, s25;
	[dreg:$0x1c] =	wrdreg s26  }
0x1f: {  	s9 =	sor.u32 $0x1400, s5;
	s25 =	simm.s32 $0xC80;
	[dreg:$0x1d] =	wrdreg s8  }
0x20: {  	s31 =	simm.s32 $0x100;
	s10 =	sadd.s32 s6, s9;
	[smem:$0x7F0] =	sst s25  }
0x21: {  	s12 =	sor.u32 $0x1800, s5;
	s11 =	sadd.s32 s7, s9;
	[dreg:$0x1e] =	wrdreg s10  }
0x22: {  	s30 =	simm.s32 $0x180;
	s14 =	sadd.s32 s6, s12;
	[dreg:$0x1f] =	wrdreg s11  }
0x23: {  	s5 =	sor.u32 $0x1C00, s5;
	s15 =	sadd.s32 s7, s12;
	[smem:$0x7E9] =	sst s14  }
0x24: {  	p0 =	por $0x0, $0x0;
	s16 =	sadd.s32 s6, s5;
	[smem:$0x7EA] =	sst s15  }
0x25: {  	s1 =	ssub.s32 $0x2, s1;
	s17 =	sadd.s32 s7, s5;
	[smem:$0x7EB] =	sst s16  }
0x26: {  	s22 =	sshrl.u32 s1, $0x1;
	s21 =	simm.s32 $0x880;
	[smem:$0x7EC] =	sst s17  }
0x27: {  	s23 =	simm.s32 $0xA80;
	s1 =	ssub.s32 s1, s22;
	[smem:$0x7ED] =	sst s21  }
0x28: {  	s24 =	simm.s32 $0x280;
	s5 =	simm.s32 $0x2;
	[smem:$0x7EE] =	sst s23  }
0x29: {  	s26 =	simm.s32 $0x900;
	s6 =	simm.s32 $0xB00;
	[smem:$0x7EF] =	sst s24  }
0x2a: {  	s22 =	simm.s32 $0x400;
	s7 =	simm.s32 $0x300;
	[smem:$0x7F1] =	sst s26  }
0x2b: {  	s8 =	simm.s32 $0xD00;
	s9 =	simm.s32 $0x980;
	[smem:$0x7F2] =	sst s6  }
0x2c: {  	s25 =	simm.s32 $0xA00;
	s12 =	simm.s32 $0xD80;
	[smem:$0x7F3] =	sst s7  }
0x2d: {  	s1 =	smax.u32 s1, $0x1;
	s23 =	simm.s32 $0x600;
	[smem:$0x7F4] =	sst s8  }
0x2e: {  	s26 =	simm.s32 $0x800;
	[smem:$0x7F5] =	sst s9;
	s10 =	simm.s32 $0xB80  }
0x2f: {  	s11 =	simm.s32 $0x380;
	s24 =	simm.s32 $0xC00;
	[smem:$0x7F8] =	sst s12  }
0x30: {  	s14 =	simm.s32 $0x440;
	s15 =	simm.s32 $0x640;
	[smem:$0x7F6] =	sst s10  }
0x31: {  	s6 =	simm.s32 $0x1;
	s16 =	simm.s32 $0x480;
	[smem:$0x7F7] =	sst s11  }
0x32: {  	s9 =	simm.s32 $0x40;
	s17 =	simm.s32 $0x680;
	[smem:$0x7F9] =	sst s14  }
0x33: {  	s8 =	simm.s32 $0xE00;
	[smem:$0x7FA] =	sst s15;
	p1 =	sne.s32 s1, $0x1  }
.Ltmp0:
0x34: {  	s21 =	simm.s32 $0x4C0;
	[smem:$0x7FB] =	sst s16;
	(pc) =	sbr.rel @!p1 .LBB2_1-.Ltmp0, $4  }
0x35: {  	s7 =	simm.s32 $0x2E00;
	s12 =	simm.s32 $0x7C0;
	[smem:$0x7FC] =	sst s17  }
0x36: {  	[smem:$0x7FD] =	sst s21;
	s17 =	simm.s32 $0x6C0;
	s21 =	simm.s32 $0x700  }
0x37: {  	s1 =	sadd.s32 $0xFFFFFFFF, s1;
	s15 =	simm.s32 $0x540;
	s16 =	simm.s32 $0x740  }
0x38: {  	s10 =	simm.s32 $0x580;
	s14 =	simm.s32 $0x780;
	s11 =	simm.s32 $0x5C0  }
0x39: {  	[tilespmem:s2], [sflag:$0x2] =	stream.linear.gather [hbm4b:s0+s2], $0x200, $0x38;
	[tilespmem:$0x4E00] =	vst v63  }
0x3a: {  	_ =	swait.ge [sflag:s5], $0x200  }
0x3b: {  	[sflag:s5] =	ssyncset.done $0x0  }
0x3c: {  	s13 =	rddreg [dreg:$0xe];
	[sflag:s5] =	ssyncadd.s32 $0xFFFFFE00  }
0x3d: {  	[tilespmem:s29], [sflag:$0x2] =	stream.linear.gather [hbm4b:s13+s2], $0x200, $0x38;
	[tilespmem:$0x4E00] =	vst v63  }
0x3e: {  	_ =	swait.ge [sflag:s5], $0x200  }
0x3f: {  	[sflag:s5] =	ssyncset.done $0x0  }
0x40: {  	s13 =	rddreg [dreg:$0xf];
	[sflag:s5] =	ssyncadd.s32 $0xFFFFFE00  }
0x41: {  	[tilespmem:s22], [sflag:$0x2] =	stream.linear.gather [hbm4b:s13+s2], $0x200, $0x38;
	[tilespmem:$0x4E00] =	vst v63  }
0x42: {  	_ =	swait.ge [sflag:s5], $0x200  }
0x43: {  	[sflag:s5] =	ssyncset.done $0x0  }
0x44: {  	s13 =	rddreg [dreg:$0x10];
	[sflag:s5] =	ssyncadd.s32 $0xFFFFFE00  }
0x45: {  	[tilespmem:s23], [sflag:$0x2] =	stream.linear.gather [hbm4b:s13+s2], $0x200, $0x38;
	[tilespmem:$0x4E00] =	vst v63  }
0x46: {  	_ =	swait.ge [sflag:s5], $0x200  }
0x47: {  	[sflag:s5] =	ssyncset.done $0x0;
	s13 =	sld [smem:$0x7F0]  }
0x48: {  	[sflag:s5] =	ssyncadd.s32 $0xFFFFFE00  }
0x49: {  	[tilespmem:s26], [sflag:$0x1] =	stream.indirect.gather [hbm4b:s20+s28], $0x1, s2, s28, $0xb8;
	[tilespmem:$0x4E00] =	vst v63  }
0x4a: {  	[smem:$0x7E4] =	sst s13  }
0x4b: {  	[tilespmem:s25], [sflag:$0x1] =	stream.indirect.gather [hbm4b:s18+s28], $0x1, s2, s28, $0xb8;
	[tilespmem:$0x4E00] =	vst v63  }
0x4c: {  	s13 =	smov.u32 s1;
	s1 =	sld [smem:$0x7ED]  }
0x4d: {  	[tilespmem:s24], [sflag:$0x1] =	stream.indirect.gather [hbm4b:s19+s28], $0x1, s29, s28, $0xb8;
	[tilespmem:$0x4E00] =	vst v63  }
0x4e: {  	s0 =	sld [smem:$0x7EE]  }
0x4f: {  	[tilespmem:s1], [sflag:$0x1] =	stream.indirect.gather [hbm4b:s20+s28], $0x1, s28, s28, $0xb8;
	[tilespmem:$0x4E00] =	vst v63  }
0x50: {  	_ = 	snop  }
0x51: {  	[tilespmem:s0], [sflag:$0x1] =	stream.indirect.gather [hbm4b:s18+s28], $0x1, s28, s28, $0xb8;
	[tilespmem:$0x4E00] =	vst v63  }
0x52: {  	s0 =	sld [smem:$0x7F1];
	_ =	sdelay $0x1  }
0x53: {  	s1 =	sld [smem:$0x7EF]  }
0x54: {  	[smem:$0x7E5] =	sst s0  }
0x55: {  	s0 =	sld [smem:$0x7E4];
	_ =	sdelay $0x2  }
0x56: {  	[tilespmem:s0], [sflag:$0x1] =	stream.indirect.gather [hbm4b:s19+s28], $0x1, s1, s28, $0xb8;
	[tilespmem:$0x4E00] =	vst v63  }
0x57: {  	s1 =	sld [smem:$0x7F4];
	_ =	sdelay $0x2  }
0x58: {  	[smem:$0x7E6] =	sst s1  }
0x59: {  	s1 =	sld [smem:$0x7E5];
	_ =	sdelay $0x1  }
0x5a: {  	s0 =	sld [smem:$0x7F2]  }
0x5b: {  	[tilespmem:s1], [sflag:$0x1] =	stream.indirect.gather [hbm4b:s20+s28], $0x1, s31, s28, $0xb8;
	[tilespmem:$0x4E00] =	vst v63  }
0x5c: {  	_ = 	snop  }
0x5d: {  	[tilespmem:s0], [sflag:$0x1] =	stream.indirect.gather [hbm4b:s18+s28], $0x1, s31, s28, $0xb8;
	[tilespmem:$0x4E00] =	vst v63  }
0x5e: {  	s0 =	sld [smem:$0x7F5];
	_ =	sdelay $0x1  }
0x5f: {  	s1 =	sld [smem:$0x7F3]  }
0x60: {  	[smem:$0x7E7] =	sst s0  }
0x61: {  	s0 =	sld [smem:$0x7E6];
	_ =	sdelay $0x2  }
0x62: {  	[tilespmem:s0], [sflag:$0x1] =	stream.indirect.gather [hbm4b:s19+s28], $0x1, s1, s28, $0xb8;
	[tilespmem:$0x4E00] =	vst v63  }
0x63: {  	s1 =	sld [smem:$0x7F8];
	_ =	sdelay $0x1  }
0x64: {  	s0 =	sld [smem:$0x7E7]  }
0x65: {  	[smem:$0x7E8] =	sst s1  }
0x66: {  	s1 =	sld [smem:$0x7F6]  }
0x67: {  	[tilespmem:s0], [sflag:$0x1] =	stream.indirect.gather [hbm4b:s20+s28], $0x1, s30, s28, $0xb8;
	[tilespmem:$0x4E00] =	vst v63  }
0x68: {  	s0 =	sld [smem:$0x7F7]  }
0x69: {  	[tilespmem:s1], [sflag:$0x1] =	stream.indirect.gather [hbm4b:s18+s28], $0x1, s30, s28, $0xb8;
	[tilespmem:$0x4E00] =	vst v63  }
0x6a: {  	s1 =	sld [smem:$0x7E8];
	_ =	sdelay $0x2  }
0x6b: {  	[tilespmem:s1], [sflag:$0x1] =	stream.indirect.gather [hbm4b:s19+s28], $0x1, s0, s28, $0xb8;
	[tilespmem:$0x4E00] =	vst v63  }
0x6c: {  	_ =	swait.ge [sflag:s6], $0x80  }
0x6d: {  	[sflag:s6] =	ssyncset.done $0x0  }
0x6e: {  	[sflag:s6] =	ssyncadd.s32 $0xFFFFFF80  }
0x6f: {  	_ =	swait.ge [sflag:s6], $0x80  }
0x70: {  	[sflag:s6] =	ssyncset.done $0x0  }
0x71: {  	[sflag:s6] =	ssyncadd.s32 $0xFFFFFF80  }
0x72: {  	_ =	swait.ge [sflag:s6], $0x80  }
0x73: {  	[sflag:s6] =	ssyncset.done $0x0  }
0x74: {  	[sflag:s6] =	ssyncadd.s32 $0xFFFFFF80  }
0x75: {  	_ =	swait.ge [sflag:s6], $0x80  }
0x76: {  	[sflag:s6] =	ssyncset.done $0x0  }
0x77: {  	[sflag:s6] =	ssyncadd.s32 $0xFFFFFF80  }
0x78: {  	_ =	swait.ge [sflag:s6], $0x80  }
0x79: {  	[sflag:s6] =	ssyncset.done $0x0  }
0x7a: {  	[sflag:s6] =	ssyncadd.s32 $0xFFFFFF80  }
0x7b: {  	_ =	swait.ge [sflag:s6], $0x80  }
0x7c: {  	[sflag:s6] =	ssyncset.done $0x0  }
0x7d: {  	[sflag:s6] =	ssyncadd.s32 $0xFFFFFF80  }
0x7e: {  	_ =	swait.ge [sflag:s6], $0x80  }
0x7f: {  	[sflag:s6] =	ssyncset.done $0x0  }
0x80: {  	[sflag:s6] =	ssyncadd.s32 $0xFFFFFF80  }
0x81: {  	_ =	swait.ge [sflag:s6], $0x80  }
0x82: {  	[sflag:s6] =	ssyncset.done $0x0  }
0x83: {  	[sflag:s6] =	ssyncadd.s32 $0xFFFFFF80  }
0x84: {  	_ =	swait.ge [sflag:s6], $0x80  }
0x85: {  	[sflag:s6] =	ssyncset.done $0x0  }
0x86: {  	[sflag:s6] =	ssyncadd.s32 $0xFFFFFF80  }
0x87: {  	_ =	swait.ge [sflag:s6], $0x80  }
0x88: {  	[sflag:s6] =	ssyncset.done $0x0  }
0x89: {  	[sflag:s6] =	ssyncadd.s32 $0xFFFFFF80  }
0x8a: {  	_ =	swait.ge [sflag:s6], $0x80  }
0x8b: {  	[sflag:s6] =	ssyncset.done $0x0  }
0x8c: {  	[sflag:s6] =	ssyncadd.s32 $0xFFFFFF80  }
0x8d: {  	_ =	swait.ge [sflag:s6], $0x80  }
0x8e: {  	[sflag:s6] =	ssyncset.done $0x0  }
0x8f: {  	s1 =	rddreg [dreg:$0x11];
	[sflag:s6] =	ssyncadd.s32 $0xFFFFFF80  }
0x90: {  	[hbm4b:s1+s2] =	stream.linear.scatter [tilespmem:s26], [sflag:$0x2], $0x200, $0x38;
	[tilespmem:$0x4E00] =	vst v63  }
0x91: {  	_ =	swait.ge [sflag:s5], $0x200  }
0x92: {  	[sflag:s5] =	ssyncset.done $0x0  }
0x93: {  	s1 =	rddreg [dreg:$0x12];
	[sflag:s5] =	ssyncadd.s32 $0xFFFFFE00  }
0x94: {  	[hbm4b:s1+s2] =	stream.linear.scatter [tilespmem:s25], [sflag:$0x2], $0x200, $0x38;
	[tilespmem:$0x4E00] =	vst v63  }
0x95: {  	_ =	swait.ge [sflag:s5], $0x200  }
0x96: {  	[sflag:s5] =	ssyncset.done $0x0  }
0x97: {  	s1 =	rddreg [dreg:$0x13];
	[sflag:s5] =	ssyncadd.s32 $0xFFFFFE00  }
0x98: {  	[hbm4b:s1+s2] =	stream.linear.scatter [tilespmem:s24], [sflag:$0x2], $0x200, $0x38;
	[tilespmem:$0x4E00] =	vst v63  }
0x99: {  	_ =	swait.ge [sflag:s5], $0x200  }
0x9a: {  	[sflag:s5] =	ssyncset.done $0x0  }
0x9b: {  	[sflag:s5] =	ssyncadd.s32 $0xFFFFFE00  }
0x9c: {  	[tilespmem:s8], [sflag:$0x1] =	stream.indirect.gather [hbm4b:s3+s9], $0x80, s22, s9, $0xb8;
	[tilespmem:$0x4E00] =	vst v63  }
0x9d: {  	_ = 	snop  }
0x9e: {  	[tilespmem:s7], [sflag:$0x1] =	stream.indirect.gather [hbm4b:s4+s9], $0x80, s23, s9, $0xb8;
	[tilespmem:$0x4E00] =	vst v63  }
0x9f: {  	_ =	swait.ge [sflag:s6], $0x2000  }
0xa0: {  	[sflag:s6] =	ssyncset.done $0x0  }
0xa1: {  	[sflag:s6] =	ssyncadd.s32 $0xFFFFE000  }
0xa2: {  	_ =	swait.ge [sflag:s6], $0x2000  }
0xa3: {  	[sflag:s6] =	ssyncset.done $0x0  }
0xa4: {  	s1 =	rddreg [dreg:$0x14];
	[sflag:s6] =	ssyncadd.s32 $0xFFFFE000  }
0xa5: {  	[hbm4b:s1+s2] =	stream.linear.scatter [tilespmem:s8], [sflag:$0x2], $0x2000, $0x38;
	[tilespmem:$0x4E00] =	vst v63  }
0xa6: {  	_ =	swait.ge [sflag:s5], $0x2000  }
0xa7: {  	[sflag:s5] =	ssyncset.done $0x0  }
0xa8: {  	s1 =	rddreg [dreg:$0x15];
	[sflag:s5] =	ssyncadd.s32 $0xFFFFE000  }
0xa9: {  	[hbm4b:s1+s2] =	stream.linear.scatter [tilespmem:s7], [sflag:$0x2], $0x2000, $0x38;
	[tilespmem:$0x4E00] =	vst v63  }
0xaa: {  	_ =	swait.ge [sflag:s5], $0x2000  }
0xab: {  	s0 =	sld [smem:$0x7F9]  }
0xac: {  	[sflag:s5] =	ssyncset.done $0x0  }
0xad: {  	s1 =	sld [smem:$0x7FA];
	[sflag:s5] =	ssyncadd.s32 $0xFFFFE000  }
0xae: {  	[tilespmem:s8], [sflag:$0x1] =	stream.indirect.gather [hbm4b:s3+s9], $0x80, s0, s9, $0xb8;
	[tilespmem:$0x4E00] =	vst v63  }
0xaf: {  	_ = 	snop  }
0xb0: {  	[tilespmem:s7], [sflag:$0x1] =	stream.indirect.gather [hbm4b:s4+s9], $0x80, s1, s9, $0xb8;
	[tilespmem:$0x4E00] =	vst v63  }
0xb1: {  	_ =	swait.ge [sflag:s6], $0x2000  }
0xb2: {  	[sflag:s6] =	ssyncset.done $0x0  }
0xb3: {  	[sflag:s6] =	ssyncadd.s32 $0xFFFFE000  }
0xb4: {  	_ =	swait.ge [sflag:s6], $0x2000  }
0xb5: {  	[sflag:s6] =	ssyncset.done $0x0  }
0xb6: {  	s1 =	rddreg [dreg:$0x16];
	[sflag:s6] =	ssyncadd.s32 $0xFFFFE000  }
0xb7: {  	[hbm4b:s1+s2] =	stream.linear.scatter [tilespmem:s8], [sflag:$0x2], $0x2000, $0x38;
	[tilespmem:$0x4E00] =	vst v63  }
0xb8: {  	_ =	swait.ge [sflag:s5], $0x2000  }
0xb9: {  	[sflag:s5] =	ssyncset.done $0x0  }
0xba: {  	s1 =	rddreg [dreg:$0x17];
	[sflag:s5] =	ssyncadd.s32 $0xFFFFE000  }
0xbb: {  	[hbm4b:s1+s2] =	stream.linear.scatter [tilespmem:s7], [sflag:$0x2], $0x2000, $0x38;
	[tilespmem:$0x4E00] =	vst v63  }
0xbc: {  	_ =	swait.ge [sflag:s5], $0x2000  }
0xbd: {  	s0 =	sld [smem:$0x7FB]  }
0xbe: {  	[sflag:s5] =	ssyncset.done $0x0  }
0xbf: {  	s1 =	sld [smem:$0x7FC];
	[sflag:s5] =	ssyncadd.s32 $0xFFFFE000  }
0xc0: {  	[tilespmem:s8], [sflag:$0x1] =	stream.indirect.gather [hbm4b:s3+s9], $0x80, s0, s9, $0xb8;
	[tilespmem:$0x4E00] =	vst v63  }
0xc1: {  	_ = 	snop  }
0xc2: {  	[tilespmem:s7], [sflag:$0x1] =	stream.indirect.gather [hbm4b:s4+s9], $0x80, s1, s9, $0xb8;
	[tilespmem:$0x4E00] =	vst v63  }
0xc3: {  	_ =	swait.ge [sflag:s6], $0x2000  }
0xc4: {  	[sflag:s6] =	ssyncset.done $0x0  }
0xc5: {  	[sflag:s6] =	ssyncadd.s32 $0xFFFFE000  }
0xc6: {  	_ =	swait.ge [sflag:s6], $0x2000  }
0xc7: {  	[sflag:s6] =	ssyncset.done $0x0  }
0xc8: {  	s1 =	rddreg [dreg:$0x18];
	[sflag:s6] =	ssyncadd.s32 $0xFFFFE000  }
0xc9: {  	[hbm4b:s1+s2] =	stream.linear.scatter [tilespmem:s8], [sflag:$0x2], $0x2000, $0x38;
	[tilespmem:$0x4E00] =	vst v63  }
0xca: {  	_ =	swait.ge [sflag:s5], $0x2000  }
0xcb: {  	[sflag:s5] =	ssyncset.done $0x0  }
0xcc: {  	s1 =	rddreg [dreg:$0x19];
	[sflag:s5] =	ssyncadd.s32 $0xFFFFE000  }
0xcd: {  	[hbm4b:s1+s2] =	stream.linear.scatter [tilespmem:s7], [sflag:$0x2], $0x2000, $0x38;
	[tilespmem:$0x4E00] =	vst v63  }
0xce: {  	_ =	swait.ge [sflag:s5], $0x2000  }
0xcf: {  	s1 =	sld [smem:$0x7FD]  }
0xd0: {  	[sflag:s5] =	ssyncset.done $0x0  }
0xd1: {  	[sflag:s5] =	ssyncadd.s32 $0xFFFFE000  }
0xd2: {  	[tilespmem:s8], [sflag:$0x1] =	stream.indirect.gather [hbm4b:s3+s9], $0x80, s1, s9, $0xb8;
	[tilespmem:$0x4E00] =	vst v63  }
0xd3: {  	_ = 	snop  }
0xd4: {  	[tilespmem:s7], [sflag:$0x1] =	stream.indirect.gather [hbm4b:s4+s9], $0x80, s17, s9, $0xb8;
	[tilespmem:$0x4E00] =	vst v63  }
0xd5: {  	_ =	swait.ge [sflag:s6], $0x2000  }
0xd6: {  	[sflag:s6] =	ssyncset.done $0x0  }
0xd7: {  	[sflag:s6] =	ssyncadd.s32 $0xFFFFE000  }
0xd8: {  	_ =	swait.ge [sflag:s6], $0x2000  }
0xd9: {  	[sflag:s6] =	ssyncset.done $0x0  }
0xda: {  	s1 =	rddreg [dreg:$0x1a];
	[sflag:s6] =	ssyncadd.s32 $0xFFFFE000  }
0xdb: {  	[hbm4b:s1+s2] =	stream.linear.scatter [tilespmem:s8], [sflag:$0x2], $0x2000, $0x38;
	[tilespmem:$0x4E00] =	vst v63  }
0xdc: {  	_ =	swait.ge [sflag:s5], $0x2000  }
0xdd: {  	[sflag:s5] =	ssyncset.done $0x0  }
0xde: {  	s1 =	rddreg [dreg:$0x1b];
	[sflag:s5] =	ssyncadd.s32 $0xFFFFE000  }
0xdf: {  	[hbm4b:s1+s2] =	stream.linear.scatter [tilespmem:s7], [sflag:$0x2], $0x2000, $0x38;
	[tilespmem:$0x4E00] =	vst v63  }
0xe0: {  	_ =	swait.ge [sflag:s5], $0x2000  }
0xe1: {  	[sflag:s5] =	ssyncset.done $0x0  }
0xe2: {  	s1 =	simm.s32 $0x500;
	[sflag:s5] =	ssyncadd.s32 $0xFFFFE000  }
0xe3: {  	[tilespmem:s8], [sflag:$0x1] =	stream.indirect.gather [hbm4b:s3+s9], $0x80, s1, s9, $0xb8;
	[tilespmem:$0x4E00] =	vst v63  }
0xe4: {  	_ = 	snop  }
0xe5: {  	[tilespmem:s7], [sflag:$0x1] =	stream.indirect.gather [hbm4b:s4+s9], $0x80, s21, s9, $0xb8;
	[tilespmem:$0x4E00] =	vst v63  }
0xe6: {  	_ =	swait.ge [sflag:s6], $0x2000  }
0xe7: {  	[sflag:s6] =	ssyncset.done $0x0  }
0xe8: {  	[sflag:s6] =	ssyncadd.s32 $0xFFFFE000  }
0xe9: {  	_ =	swait.ge [sflag:s6], $0x2000  }
0xea: {  	[sflag:s6] =	ssyncset.done $0x0  }
0xeb: {  	s1 =	rddreg [dreg:$0x1c];
	[sflag:s6] =	ssyncadd.s32 $0xFFFFE000  }
0xec: {  	[hbm4b:s1+s2] =	stream.linear.scatter [tilespmem:s8], [sflag:$0x2], $0x2000, $0x38;
	[tilespmem:$0x4E00] =	vst v63  }
0xed: {  	_ =	swait.ge [sflag:s5], $0x2000  }
0xee: {  	[sflag:s5] =	ssyncset.done $0x0  }
0xef: {  	s1 =	rddreg [dreg:$0x1d];
	[sflag:s5] =	ssyncadd.s32 $0xFFFFE000  }
0xf0: {  	[hbm4b:s1+s2] =	stream.linear.scatter [tilespmem:s7], [sflag:$0x2], $0x2000, $0x38;
	[tilespmem:$0x4E00] =	vst v63  }
0xf1: {  	_ =	swait.ge [sflag:s5], $0x2000  }
0xf2: {  	[sflag:s5] =	ssyncset.done $0x0  }
0xf3: {  	[sflag:s5] =	ssyncadd.s32 $0xFFFFE000  }
0xf4: {  	[tilespmem:s8], [sflag:$0x1] =	stream.indirect.gather [hbm4b:s3+s9], $0x80, s15, s9, $0xb8;
	[tilespmem:$0x4E00] =	vst v63  }
0xf5: {  	_ = 	snop  }
0xf6: {  	[tilespmem:s7], [sflag:$0x1] =	stream.indirect.gather [hbm4b:s4+s9], $0x80, s16, s9, $0xb8;
	[tilespmem:$0x4E00] =	vst v63  }
0xf7: {  	_ =	swait.ge [sflag:s6], $0x2000  }
0xf8: {  	[sflag:s6] =	ssyncset.done $0x0  }
0xf9: {  	[sflag:s6] =	ssyncadd.s32 $0xFFFFE000  }
0xfa: {  	_ =	swait.ge [sflag:s6], $0x2000  }
0xfb: {  	[sflag:s6] =	ssyncset.done $0x0  }
0xfc: {  	s1 =	rddreg [dreg:$0x1e];
	[sflag:s6] =	ssyncadd.s32 $0xFFFFE000  }
0xfd: {  	[hbm4b:s1+s2] =	stream.linear.scatter [tilespmem:s8], [sflag:$0x2], $0x2000, $0x38;
	[tilespmem:$0x4E00] =	vst v63  }
0xfe: {  	_ =	swait.ge [sflag:s5], $0x2000  }
0xff: {  	[sflag:s5] =	ssyncset.done $0x0  }
0x100: {  	s1 =	rddreg [dreg:$0x1f];
	[sflag:s5] =	ssyncadd.s32 $0xFFFFE000  }
0x101: {  	[hbm4b:s1+s2] =	stream.linear.scatter [tilespmem:s7], [sflag:$0x2], $0x2000, $0x38;
	[tilespmem:$0x4E00] =	vst v63  }
0x102: {  	_ =	swait.ge [sflag:s5], $0x2000  }
0x103: {  	[sflag:s5] =	ssyncset.done $0x0  }
0x104: {  	[sflag:s5] =	ssyncadd.s32 $0xFFFFE000  }
0x105: {  	[tilespmem:s8], [sflag:$0x1] =	stream.indirect.gather [hbm4b:s3+s9], $0x80, s10, s9, $0xb8;
	[tilespmem:$0x4E00] =	vst v63  }
0x106: {  	_ = 	snop  }
0x107: {  	[tilespmem:s7], [sflag:$0x1] =	stream.indirect.gather [hbm4b:s4+s9], $0x80, s14, s9, $0xb8;
	[tilespmem:$0x4E00] =	vst v63  }
0x108: {  	_ =	swait.ge [sflag:s6], $0x2000  }
0x109: {  	[sflag:s6] =	ssyncset.done $0x0  }
0x10a: {  	[sflag:s6] =	ssyncadd.s32 $0xFFFFE000  }
0x10b: {  	_ =	swait.ge [sflag:s6], $0x2000  }
0x10c: {  	s1 =	sld [smem:$0x7E9]  }
0x10d: {  	[sflag:s6] =	ssyncset.done $0x0  }
0x10e: {  	[sflag:s6] =	ssyncadd.s32 $0xFFFFE000  }
0x10f: {  	[hbm4b:s1+s2] =	stream.linear.scatter [tilespmem:s8], [sflag:$0x2], $0x2000, $0x38;
	[tilespmem:$0x4E00] =	vst v63  }
0x110: {  	_ =	swait.ge [sflag:s5], $0x2000  }
0x111: {  	s10 =	sld [smem:$0x7EA]  }
0x112: {  	[sflag:s5] =	ssyncset.done $0x0  }
0x113: {  	[sflag:s5] =	ssyncadd.s32 $0xFFFFE000  }
0x114: {  	[hbm4b:s10+s2] =	stream.linear.scatter [tilespmem:s7], [sflag:$0x2], $0x2000, $0x38;
	[tilespmem:$0x4E00] =	vst v63  }
0x115: {  	_ =	swait.ge [sflag:s5], $0x2000  }
0x116: {  	[sflag:s5] =	ssyncset.done $0x0  }
0x117: {  	[sflag:s5] =	ssyncadd.s32 $0xFFFFE000  }
0x118: {  	[tilespmem:s8], [sflag:$0x1] =	stream.indirect.gather [hbm4b:s3+s9], $0x80, s11, s9, $0xb8;
	[tilespmem:$0x4E00] =	vst v63  }
0x119: {  	_ = 	snop  }
0x11a: {  	[tilespmem:s7], [sflag:$0x1] =	stream.indirect.gather [hbm4b:s4+s9], $0x80, s12, s9, $0xb8;
	[tilespmem:$0x4E00] =	vst v63  }
0x11b: {  	_ =	swait.ge [sflag:s6], $0x2000  }
0x11c: {  	[sflag:s6] =	ssyncset.done $0x0  }
0x11d: {  	[sflag:s6] =	ssyncadd.s32 $0xFFFFE000  }
0x11e: {  	_ =	swait.ge [sflag:s6], $0x2000  }
0x11f: {  	s1 =	sld [smem:$0x7EB]  }
0x120: {  	[sflag:s6] =	ssyncset.done $0x0  }
0x121: {  	[sflag:s6] =	ssyncadd.s32 $0xFFFFE000  }
0x122: {  	[hbm4b:s1+s2] =	stream.linear.scatter [tilespmem:s8], [sflag:$0x2], $0x2000, $0x38;
	[tilespmem:$0x4E00] =	vst v63  }
0x123: {  	_ =	swait.ge [sflag:s5], $0x2000  }
0x124: {  	p1 =	sne.s32 s13, $0x1;
	s10 =	sld [smem:$0x7EC]  }
.Ltmp1:
0x125: {  	[sflag:s5] =	ssyncset.done $0x0;
	(pc) =	sbr.rel @!p1 .LBB2_3-.Ltmp1, $4  }
0x126: {  	[sflag:s5] =	ssyncadd.s32 $0xFFFFE000  }
0x127: {  	[hbm4b:s10+s2] =	stream.linear.scatter [tilespmem:s7], [sflag:$0x2], $0x2000, $0x38;
	[tilespmem:$0x4E00] =	vst v63  }
0x128: {  	p0 =	por $0x1, $0x1;
	_ =	swait.ge [sflag:s5], $0x2000  }
0x129: {  	s1 =	sadd.s32 $0xFFFFFFFF, s13;
	s0 =	rddreg [dreg:$0xd];
	[sflag:s5] =	ssyncset.done $0x0  }
.LBB2_4:
0x12a: {  	[sflag:s5] =	ssyncadd.s32 $0xFFFFE000  }
0x12b: {  	[tilespmem:s2], [sflag:$0x2] =	stream.linear.gather [hbm4b:s0+s2], $0x200, $0x38;
	[tilespmem:$0x4E00] =	vst v63  }
0x12c: {  	_ =	swait.ge [sflag:s5], $0x200  }
0x12d: {  	[sflag:s5] =	ssyncset.done $0x0  }
0x12e: {  	s10 =	rddreg [dreg:$0xe];
	[sflag:s5] =	ssyncadd.s32 $0xFFFFFE00  }
0x12f: {  	[tilespmem:s29], [sflag:$0x2] =	stream.linear.gather [hbm4b:s10+s2], $0x200, $0x38;
	[tilespmem:$0x4E00] =	vst v63  }
0x130: {  	_ =	swait.ge [sflag:s5], $0x200  }
0x131: {  	[sflag:s5] =	ssyncset.done $0x0  }
0x132: {  	s11 =	rddreg [dreg:$0xf];
	[sflag:s5] =	ssyncadd.s32 $0xFFFFFE00  }
0x133: {  	[tilespmem:s22], [sflag:$0x2] =	stream.linear.gather [hbm4b:s11+s2], $0x200, $0x38;
	[tilespmem:$0x4E00] =	vst v63  }
0x134: {  	_ =	swait.ge [sflag:s5], $0x200  }
0x135: {  	[sflag:s5] =	ssyncset.done $0x0  }
0x136: {  	s12 =	rddreg [dreg:$0x10];
	[sflag:s5] =	ssyncadd.s32 $0xFFFFFE00  }
0x137: {  	[tilespmem:s23], [sflag:$0x2] =	stream.linear.gather [hbm4b:s12+s2], $0x200, $0x38;
	[tilespmem:$0x4E00] =	vst v63  }
0x138: {  	_ =	swait.ge [sflag:s5], $0x200  }
0x139: {  	[sflag:s5] =	ssyncset.done $0x0;
	s0 =	sld [smem:$0x7F8]  }
0x13a: {  	s10 =	sld [smem:$0x7F4];
	[sflag:s5] =	ssyncadd.s32 $0xFFFFFE00  }
0x13b: {  	[tilespmem:s26], [sflag:$0x1] =	stream.indirect.gather [hbm4b:s20+s28], $0x1, s2, s28, $0xb8;
	[tilespmem:$0x4E00] =	vst v63  }
0x13c: {  	s11 =	sld [smem:$0x7F0]  }
0x13d: {  	[tilespmem:s25], [sflag:$0x1] =	stream.indirect.gather [hbm4b:s18+s28], $0x1, s2, s28, $0xb8;
	[tilespmem:$0x4E00] =	vst v63  }
0x13e: {  	s12 =	sld [smem:$0x7ED]  }
0x13f: {  	[tilespmem:s24], [sflag:$0x1] =	stream.indirect.gather [hbm4b:s19+s28], $0x1, s29, s28, $0xb8;
	[tilespmem:$0x4E00] =	vst v63  }
0x140: {  	s13 =	sld [smem:$0x7EE]  }
0x141: {  	[tilespmem:s12], [sflag:$0x1] =	stream.indirect.gather [hbm4b:s20+s28], $0x1, s28, s28, $0xb8;
	[tilespmem:$0x4E00] =	vst v63  }
0x142: {  	s12 =	sld [smem:$0x7EF]  }
0x143: {  	[tilespmem:s13], [sflag:$0x1] =	stream.indirect.gather [hbm4b:s18+s28], $0x1, s28, s28, $0xb8;
	[tilespmem:$0x4E00] =	vst v63  }
0x144: {  	s13 =	sld [smem:$0x7F1]  }
0x145: {  	[tilespmem:s11], [sflag:$0x1] =	stream.indirect.gather [hbm4b:s19+s28], $0x1, s12, s28, $0xb8;
	[tilespmem:$0x4E00] =	vst v63  }
0x146: {  	s11 =	sld [smem:$0x7F2]  }
0x147: {  	[tilespmem:s13], [sflag:$0x1] =	stream.indirect.gather [hbm4b:s20+s28], $0x1, s31, s28, $0xb8;
	[tilespmem:$0x4E00] =	vst v63  }
0x148: {  	s12 =	sld [smem:$0x7F3]  }
0x149: {  	[tilespmem:s11], [sflag:$0x1] =	stream.indirect.gather [hbm4b:s18+s28], $0x1, s31, s28, $0xb8;
	[tilespmem:$0x4E00] =	vst v63  }
0x14a: {  	s13 =	sld [smem:$0x7F5]  }
0x14b: {  	[tilespmem:s10], [sflag:$0x1] =	stream.indirect.gather [hbm4b:s19+s28], $0x1, s12, s28, $0xb8;
	[tilespmem:$0x4E00] =	vst v63  }
0x14c: {  	s10 =	sld [smem:$0x7F6]  }
0x14d: {  	[tilespmem:s13], [sflag:$0x1] =	stream.indirect.gather [hbm4b:s20+s28], $0x1, s30, s28, $0xb8;
	[tilespmem:$0x4E00] =	vst v63  }
0x14e: {  	s13 =	sld [smem:$0x7F7]  }
0x14f: {  	[tilespmem:s10], [sflag:$0x1] =	stream.indirect.gather [hbm4b:s18+s28], $0x1, s30, s28, $0xb8;
	[tilespmem:$0x4E00] =	vst v63  }
0x150: {  	_ = 	snop  }
0x151: {  	[tilespmem:s0], [sflag:$0x1] =	stream.indirect.gather [hbm4b:s19+s28], $0x1, s13, s28, $0xb8;
	[tilespmem:$0x4E00] =	vst v63  }
0x152: {  	_ =	swait.ge [sflag:s6], $0x80  }
0x153: {  	[sflag:s6] =	ssyncset.done $0x0  }
0x154: {  	[sflag:s6] =	ssyncadd.s32 $0xFFFFFF80  }
0x155: {  	_ =	swait.ge [sflag:s6], $0x80  }
0x156: {  	[sflag:s6] =	ssyncset.done $0x0  }
0x157: {  	[sflag:s6] =	ssyncadd.s32 $0xFFFFFF80  }
0x158: {  	_ =	swait.ge [sflag:s6], $0x80  }
0x159: {  	[sflag:s6] =	ssyncset.done $0x0  }
0x15a: {  	[sflag:s6] =	ssyncadd.s32 $0xFFFFFF80  }
0x15b: {  	_ =	swait.ge [sflag:s6], $0x80  }
0x15c: {  	[sflag:s6] =	ssyncset.done $0x0  }
0x15d: {  	[sflag:s6] =	ssyncadd.s32 $0xFFFFFF80  }
0x15e: {  	_ =	swait.ge [sflag:s6], $0x80  }
0x15f: {  	[sflag:s6] =	ssyncset.done $0x0  }
0x160: {  	[sflag:s6] =	ssyncadd.s32 $0xFFFFFF80  }
0x161: {  	_ =	swait.ge [sflag:s6], $0x80  }
0x162: {  	[sflag:s6] =	ssyncset.done $0x0  }
0x163: {  	[sflag:s6] =	ssyncadd.s32 $0xFFFFFF80  }
0x164: {  	_ =	swait.ge [sflag:s6], $0x80  }
0x165: {  	[sflag:s6] =	ssyncset.done $0x0  }
0x166: {  	[sflag:s6] =	ssyncadd.s32 $0xFFFFFF80  }
0x167: {  	_ =	swait.ge [sflag:s6], $0x80  }
0x168: {  	[sflag:s6] =	ssyncset.done $0x0  }
0x169: {  	[sflag:s6] =	ssyncadd.s32 $0xFFFFFF80  }
0x16a: {  	_ =	swait.ge [sflag:s6], $0x80  }
0x16b: {  	[sflag:s6] =	ssyncset.done $0x0  }
0x16c: {  	[sflag:s6] =	ssyncadd.s32 $0xFFFFFF80  }
0x16d: {  	_ =	swait.ge [sflag:s6], $0x80  }
0x16e: {  	[sflag:s6] =	ssyncset.done $0x0  }
0x16f: {  	[sflag:s6] =	ssyncadd.s32 $0xFFFFFF80  }
0x170: {  	_ =	swait.ge [sflag:s6], $0x80  }
0x171: {  	[sflag:s6] =	ssyncset.done $0x0  }
0x172: {  	[sflag:s6] =	ssyncadd.s32 $0xFFFFFF80  }
0x173: {  	_ =	swait.ge [sflag:s6], $0x80  }
0x174: {  	[sflag:s6] =	ssyncset.done $0x0  }
0x175: {  	s13 =	rddreg [dreg:$0x11];
	[sflag:s6] =	ssyncadd.s32 $0xFFFFFF80  }
0x176: {  	[hbm4b:s13+s2] =	stream.linear.scatter [tilespmem:s26], [sflag:$0x2], $0x200, $0x38;
	[tilespmem:$0x4E00] =	vst v63  }
0x177: {  	_ =	swait.ge [sflag:s5], $0x200  }
0x178: {  	[sflag:s5] =	ssyncset.done $0x0  }
0x179: {  	s10 =	rddreg [dreg:$0x12];
	[sflag:s5] =	ssyncadd.s32 $0xFFFFFE00  }
0x17a: {  	[hbm4b:s10+s2] =	stream.linear.scatter [tilespmem:s25], [sflag:$0x2], $0x200, $0x38;
	[tilespmem:$0x4E00] =	vst v63  }
0x17b: {  	_ =	swait.ge [sflag:s5], $0x200  }
0x17c: {  	[sflag:s5] =	ssyncset.done $0x0  }
0x17d: {  	s13 =	rddreg [dreg:$0x13];
	[sflag:s5] =	ssyncadd.s32 $0xFFFFFE00  }
0x17e: {  	[hbm4b:s13+s2] =	stream.linear.scatter [tilespmem:s24], [sflag:$0x2], $0x200, $0x38;
	[tilespmem:$0x4E00] =	vst v63  }
0x17f: {  	_ =	swait.ge [sflag:s5], $0x200  }
0x180: {  	[sflag:s5] =	ssyncset.done $0x0  }
0x181: {  	[sflag:s5] =	ssyncadd.s32 $0xFFFFFE00  }
0x182: {  	[tilespmem:s8], [sflag:$0x1] =	stream.indirect.gather [hbm4b:s3+s9], $0x80, s22, s9, $0xb8;
	[tilespmem:$0x4E00] =	vst v63  }
0x183: {  	_ = 	snop  }
0x184: {  	[tilespmem:s7], [sflag:$0x1] =	stream.indirect.gather [hbm4b:s4+s9], $0x80, s23, s9, $0xb8;
	[tilespmem:$0x4E00] =	vst v63  }
0x185: {  	_ =	swait.ge [sflag:s6], $0x2000  }
0x186: {  	[sflag:s6] =	ssyncset.done $0x0  }
0x187: {  	[sflag:s6] =	ssyncadd.s32 $0xFFFFE000  }
0x188: {  	_ =	swait.ge [sflag:s6], $0x2000  }
0x189: {  	[sflag:s6] =	ssyncset.done $0x0  }
0x18a: {  	s10 =	rddreg [dreg:$0x14];
	[sflag:s6] =	ssyncadd.s32 $0xFFFFE000  }
0x18b: {  	[hbm4b:s10+s2] =	stream.linear.scatter [tilespmem:s8], [sflag:$0x2], $0x2000, $0x38;
	[tilespmem:$0x4E00] =	vst v63  }
0x18c: {  	_ =	swait.ge [sflag:s5], $0x2000  }
0x18d: {  	[sflag:s5] =	ssyncset.done $0x0  }
0x18e: {  	s13 =	rddreg [dreg:$0x15];
	[sflag:s5] =	ssyncadd.s32 $0xFFFFE000  }
0x18f: {  	[hbm4b:s13+s2] =	stream.linear.scatter [tilespmem:s7], [sflag:$0x2], $0x2000, $0x38;
	[tilespmem:$0x4E00] =	vst v63  }
0x190: {  	_ =	swait.ge [sflag:s5], $0x2000  }
0x191: {  	s10 =	sld [smem:$0x7F9]  }
0x192: {  	[sflag:s5] =	ssyncset.done $0x0  }
0x193: {  	s13 =	sld [smem:$0x7FA];
	[sflag:s5] =	ssyncadd.s32 $0xFFFFE000  }
0x194: {  	[tilespmem:s8], [sflag:$0x1] =	stream.indirect.gather [hbm4b:s3+s9], $0x80, s10, s9, $0xb8;
	[tilespmem:$0x4E00] =	vst v63  }
0x195: {  	_ = 	snop  }
0x196: {  	[tilespmem:s7], [sflag:$0x1] =	stream.indirect.gather [hbm4b:s4+s9], $0x80, s13, s9, $0xb8;
	[tilespmem:$0x4E00] =	vst v63  }
0x197: {  	_ =	swait.ge [sflag:s6], $0x2000  }
0x198: {  	[sflag:s6] =	ssyncset.done $0x0  }
0x199: {  	[sflag:s6] =	ssyncadd.s32 $0xFFFFE000  }
0x19a: {  	_ =	swait.ge [sflag:s6], $0x2000  }
0x19b: {  	[sflag:s6] =	ssyncset.done $0x0  }
0x19c: {  	s10 =	rddreg [dreg:$0x16];
	[sflag:s6] =	ssyncadd.s32 $0xFFFFE000  }
0x19d: {  	[hbm4b:s10+s2] =	stream.linear.scatter [tilespmem:s8], [sflag:$0x2], $0x2000, $0x38;
	[tilespmem:$0x4E00] =	vst v63  }
0x19e: {  	_ =	swait.ge [sflag:s5], $0x2000  }
0x19f: {  	[sflag:s5] =	ssyncset.done $0x0  }
0x1a0: {  	s13 =	rddreg [dreg:$0x17];
	[sflag:s5] =	ssyncadd.s32 $0xFFFFE000  }
0x1a1: {  	[hbm4b:s13+s2] =	stream.linear.scatter [tilespmem:s7], [sflag:$0x2], $0x2000, $0x38;
	[tilespmem:$0x4E00] =	vst v63  }
0x1a2: {  	_ =	swait.ge [sflag:s5], $0x2000  }
0x1a3: {  	s10 =	sld [smem:$0x7FB]  }
0x1a4: {  	[sflag:s5] =	ssyncset.done $0x0  }
0x1a5: {  	s13 =	sld [smem:$0x7FC];
	[sflag:s5] =	ssyncadd.s32 $0xFFFFE000  }
0x1a6: {  	[tilespmem:s8], [sflag:$0x1] =	stream.indirect.gather [hbm4b:s3+s9], $0x80, s10, s9, $0xb8;
	[tilespmem:$0x4E00] =	vst v63  }
0x1a7: {  	_ = 	snop  }
0x1a8: {  	[tilespmem:s7], [sflag:$0x1] =	stream.indirect.gather [hbm4b:s4+s9], $0x80, s13, s9, $0xb8;
	[tilespmem:$0x4E00] =	vst v63  }
0x1a9: {  	_ =	swait.ge [sflag:s6], $0x2000  }
0x1aa: {  	[sflag:s6] =	ssyncset.done $0x0  }
0x1ab: {  	[sflag:s6] =	ssyncadd.s32 $0xFFFFE000  }
0x1ac: {  	_ =	swait.ge [sflag:s6], $0x2000  }
0x1ad: {  	[sflag:s6] =	ssyncset.done $0x0  }
0x1ae: {  	s13 =	rddreg [dreg:$0x18];
	[sflag:s6] =	ssyncadd.s32 $0xFFFFE000  }
0x1af: {  	[hbm4b:s13+s2] =	stream.linear.scatter [tilespmem:s8], [sflag:$0x2], $0x2000, $0x38;
	[tilespmem:$0x4E00] =	vst v63  }
0x1b0: {  	_ =	swait.ge [sflag:s5], $0x2000  }
0x1b1: {  	[sflag:s5] =	ssyncset.done $0x0  }
0x1b2: {  	s13 =	rddreg [dreg:$0x19];
	[sflag:s5] =	ssyncadd.s32 $0xFFFFE000  }
0x1b3: {  	[hbm4b:s13+s2] =	stream.linear.scatter [tilespmem:s7], [sflag:$0x2], $0x2000, $0x38;
	[tilespmem:$0x4E00] =	vst v63  }
0x1b4: {  	_ =	swait.ge [sflag:s5], $0x2000  }
0x1b5: {  	s13 =	sld [smem:$0x7FD]  }
0x1b6: {  	[sflag:s5] =	ssyncset.done $0x0  }
0x1b7: {  	[sflag:s5] =	ssyncadd.s32 $0xFFFFE000  }
0x1b8: {  	[tilespmem:s8], [sflag:$0x1] =	stream.indirect.gather [hbm4b:s3+s9], $0x80, s13, s9, $0xb8;
	[tilespmem:$0x4E00] =	vst v63  }
0x1b9: {  	_ = 	snop  }
0x1ba: {  	[tilespmem:s7], [sflag:$0x1] =	stream.indirect.gather [hbm4b:s4+s9], $0x80, s17, s9, $0xb8;
	[tilespmem:$0x4E00] =	vst v63  }
0x1bb: {  	_ =	swait.ge [sflag:s6], $0x2000  }
0x1bc: {  	[sflag:s6] =	ssyncset.done $0x0  }
0x1bd: {  	[sflag:s6] =	ssyncadd.s32 $0xFFFFE000  }
0x1be: {  	_ =	swait.ge [sflag:s6], $0x2000  }
0x1bf: {  	[sflag:s6] =	ssyncset.done $0x0  }
0x1c0: {  	s13 =	rddreg [dreg:$0x1a];
	[sflag:s6] =	ssyncadd.s32 $0xFFFFE000  }
0x1c1: {  	[hbm4b:s13+s2] =	stream.linear.scatter [tilespmem:s8], [sflag:$0x2], $0x2000, $0x38;
	[tilespmem:$0x4E00] =	vst v63  }
0x1c2: {  	_ =	swait.ge [sflag:s5], $0x2000  }
0x1c3: {  	[sflag:s5] =	ssyncset.done $0x0  }
0x1c4: {  	s13 =	rddreg [dreg:$0x1b];
	[sflag:s5] =	ssyncadd.s32 $0xFFFFE000  }
0x1c5: {  	[hbm4b:s13+s2] =	stream.linear.scatter [tilespmem:s7], [sflag:$0x2], $0x2000, $0x38;
	[tilespmem:$0x4E00] =	vst v63  }
0x1c6: {  	_ =	swait.ge [sflag:s5], $0x2000  }
0x1c7: {  	[sflag:s5] =	ssyncset.done $0x0  }
0x1c8: {  	s13 =	simm.s32 $0x500;
	[sflag:s5] =	ssyncadd.s32 $0xFFFFE000  }
0x1c9: {  	[tilespmem:s8], [sflag:$0x1] =	stream.indirect.gather [hbm4b:s3+s9], $0x80, s13, s9, $0xb8;
	[tilespmem:$0x4E00] =	vst v63  }
0x1ca: {  	_ = 	snop  }
0x1cb: {  	[tilespmem:s7], [sflag:$0x1] =	stream.indirect.gather [hbm4b:s4+s9], $0x80, s21, s9, $0xb8;
	[tilespmem:$0x4E00] =	vst v63  }
0x1cc: {  	_ =	swait.ge [sflag:s6], $0x2000  }
0x1cd: {  	[sflag:s6] =	ssyncset.done $0x0  }
0x1ce: {  	[sflag:s6] =	ssyncadd.s32 $0xFFFFE000  }
0x1cf: {  	_ =	swait.ge [sflag:s6], $0x2000  }
0x1d0: {  	[sflag:s6] =	ssyncset.done $0x0  }
0x1d1: {  	s13 =	rddreg [dreg:$0x1c];
	[sflag:s6] =	ssyncadd.s32 $0xFFFFE000  }
0x1d2: {  	[hbm4b:s13+s2] =	stream.linear.scatter [tilespmem:s8], [sflag:$0x2], $0x2000, $0x38;
	[tilespmem:$0x4E00] =	vst v63  }
0x1d3: {  	_ =	swait.ge [sflag:s5], $0x2000  }
0x1d4: {  	[sflag:s5] =	ssyncset.done $0x0  }
0x1d5: {  	s13 =	rddreg [dreg:$0x1d];
	[sflag:s5] =	ssyncadd.s32 $0xFFFFE000  }
0x1d6: {  	[hbm4b:s13+s2] =	stream.linear.scatter [tilespmem:s7], [sflag:$0x2], $0x2000, $0x38;
	[tilespmem:$0x4E00] =	vst v63  }
0x1d7: {  	_ =	swait.ge [sflag:s5], $0x2000  }
0x1d8: {  	[sflag:s5] =	ssyncset.done $0x0  }
0x1d9: {  	[sflag:s5] =	ssyncadd.s32 $0xFFFFE000  }
0x1da: {  	[tilespmem:s8], [sflag:$0x1] =	stream.indirect.gather [hbm4b:s3+s9], $0x80, s15, s9, $0xb8;
	[tilespmem:$0x4E00] =	vst v63  }
0x1db: {  	_ = 	snop  }
0x1dc: {  	[tilespmem:s7], [sflag:$0x1] =	stream.indirect.gather [hbm4b:s4+s9], $0x80, s16, s9, $0xb8;
	[tilespmem:$0x4E00] =	vst v63  }
0x1dd: {  	_ =	swait.ge [sflag:s6], $0x2000  }
0x1de: {  	[sflag:s6] =	ssyncset.done $0x0  }
0x1df: {  	[sflag:s6] =	ssyncadd.s32 $0xFFFFE000  }
0x1e0: {  	_ =	swait.ge [sflag:s6], $0x2000  }
0x1e1: {  	[sflag:s6] =	ssyncset.done $0x0  }
0x1e2: {  	s13 =	rddreg [dreg:$0x1e];
	[sflag:s6] =	ssyncadd.s32 $0xFFFFE000  }
0x1e3: {  	[hbm4b:s13+s2] =	stream.linear.scatter [tilespmem:s8], [sflag:$0x2], $0x2000, $0x38;
	[tilespmem:$0x4E00] =	vst v63  }
0x1e4: {  	_ =	swait.ge [sflag:s5], $0x2000  }
0x1e5: {  	[sflag:s5] =	ssyncset.done $0x0  }
0x1e6: {  	s13 =	rddreg [dreg:$0x1f];
	[sflag:s5] =	ssyncadd.s32 $0xFFFFE000  }
0x1e7: {  	[hbm4b:s13+s2] =	stream.linear.scatter [tilespmem:s7], [sflag:$0x2], $0x2000, $0x38;
	[tilespmem:$0x4E00] =	vst v63  }
0x1e8: {  	_ =	swait.ge [sflag:s5], $0x2000  }
0x1e9: {  	[sflag:s5] =	ssyncset.done $0x0  }
0x1ea: {  	s10 =	simm.s32 $0x580;
	[sflag:s5] =	ssyncadd.s32 $0xFFFFE000  }
0x1eb: {  	[tilespmem:s8], [sflag:$0x1] =	stream.indirect.gather [hbm4b:s3+s9], $0x80, s10, s9, $0xb8;
	[tilespmem:$0x4E00] =	vst v63  }
0x1ec: {  	_ = 	snop  }
0x1ed: {  	[tilespmem:s7], [sflag:$0x1] =	stream.indirect.gather [hbm4b:s4+s9], $0x80, s14, s9, $0xb8;
	[tilespmem:$0x4E00] =	vst v63  }
0x1ee: {  	_ =	swait.ge [sflag:s6], $0x2000  }
0x1ef: {  	[sflag:s6] =	ssyncset.done $0x0  }
0x1f0: {  	[sflag:s6] =	ssyncadd.s32 $0xFFFFE000  }
0x1f1: {  	_ =	swait.ge [sflag:s6], $0x2000  }
0x1f2: {  	s10 =	sld [smem:$0x7E9]  }
0x1f3: {  	[sflag:s6] =	ssyncset.done $0x0  }
0x1f4: {  	[sflag:s6] =	ssyncadd.s32 $0xFFFFE000  }
0x1f5: {  	[hbm4b:s10+s2] =	stream.linear.scatter [tilespmem:s8], [sflag:$0x2], $0x2000, $0x38;
	[tilespmem:$0x4E00] =	vst v63  }
0x1f6: {  	_ =	swait.ge [sflag:s5], $0x2000  }
0x1f7: {  	s13 =	sld [smem:$0x7EA]  }
0x1f8: {  	[sflag:s5] =	ssyncset.done $0x0  }
0x1f9: {  	[sflag:s5] =	ssyncadd.s32 $0xFFFFE000  }
0x1fa: {  	[hbm4b:s13+s2] =	stream.linear.scatter [tilespmem:s7], [sflag:$0x2], $0x2000, $0x38;
	[tilespmem:$0x4E00] =	vst v63  }
0x1fb: {  	_ =	swait.ge [sflag:s5], $0x2000  }
0x1fc: {  	[sflag:s5] =	ssyncset.done $0x0  }
0x1fd: {  	s11 =	simm.s32 $0x5C0;
	[sflag:s5] =	ssyncadd.s32 $0xFFFFE000  }
0x1fe: {  	[tilespmem:s8], [sflag:$0x1] =	stream.indirect.gather [hbm4b:s3+s9], $0x80, s11, s9, $0xb8;
	[tilespmem:$0x4E00] =	vst v63  }
0x1ff: {  	s12 =	simm.s32 $0x7C0  }
0x200: {  	[tilespmem:s7], [sflag:$0x1] =	stream.indirect.gather [hbm4b:s4+s9], $0x80, s12, s9, $0xb8;
	[tilespmem:$0x4E00] =	vst v63  }
0x201: {  	_ =	swait.ge [sflag:s6], $0x2000  }
0x202: {  	[sflag:s6] =	ssyncset.done $0x0  }
0x203: {  	[sflag:s6] =	ssyncadd.s32 $0xFFFFE000  }
0x204: {  	_ =	swait.ge [sflag:s6], $0x2000  }
0x205: {  	s10 =	sld [smem:$0x7EB]  }
0x206: {  	[sflag:s6] =	ssyncset.done $0x0  }
0x207: {  	[sflag:s6] =	ssyncadd.s32 $0xFFFFE000  }
0x208: {  	[hbm4b:s10+s2] =	stream.linear.scatter [tilespmem:s8], [sflag:$0x2], $0x2000, $0x38;
	[tilespmem:$0x4E00] =	vst v63  }
0x209: {  	_ =	swait.ge [sflag:s5], $0x2000  }
0x20a: {  	p1 =	sne.s32 s1, $0x1;
	s13 =	sld [smem:$0x7EC]  }
.Ltmp2:
0x20b: {  	[sflag:s5] =	ssyncset.done $0x0;
	(pc) =	sbr.rel @p1 .LBB2_4-.Ltmp2, $4  }
0x20c: {  	[sflag:s5] =	ssyncadd.s32 $0xFFFFE000  }
0x20d: {  	[hbm4b:s13+s2] =	stream.linear.scatter [tilespmem:s7], [sflag:$0x2], $0x2000, $0x38;
	[tilespmem:$0x4E00] =	vst v63  }
0x20e: {  	_ =	swait.ge [sflag:s5], $0x2000  }
0x20f: {  	s1 =	sadd.s32 $0xFFFFFFFF, s1;
	s0 =	rddreg [dreg:$0xd];
	[sflag:s5] =	ssyncset.done $0x0  }
0x210: {  	s14 =	simm.s32 $0x6C0;
	s21 =	simm.s32 $0x700;
	s17 =	simm.s32 $0x500  }
0x211: {  	s16 =	simm.s32 $0x740;
	s15 =	simm.s32 $0x540;
	s13 =	stileid.u32  }
.LBB2_6:
0x212: {  	[sflag:s5] =	ssyncadd.s32 @p0 $0xFFFFE000  }
0x213: {  	[tilespmem:s2], [sflag:$0x2] =	stream.linear.gather [hbm4b:s0+s2], $0x200, $0x38;
	[tilespmem:$0x4E00] =	vst v63  }
0x214: {  	_ =	swait.ge [sflag:s5], $0x200  }
0x215: {  	[sflag:s5] =	ssyncset.done $0x0  }
0x216: {  	s1 =	rddreg [dreg:$0xe];
	[sflag:s5] =	ssyncadd.s32 $0xFFFFFE00  }
0x217: {  	[tilespmem:s29], [sflag:$0x2] =	stream.linear.gather [hbm4b:s1+s2], $0x200, $0x38;
	[tilespmem:$0x4E00] =	vst v63  }
0x218: {  	_ =	swait.ge [sflag:s5], $0x200  }
0x219: {  	[sflag:s5] =	ssyncset.done $0x0  }
0x21a: {  	s10 =	rddreg [dreg:$0xf];
	[sflag:s5] =	ssyncadd.s32 $0xFFFFFE00  }
0x21b: {  	[tilespmem:s22], [sflag:$0x2] =	stream.linear.gather [hbm4b:s10+s2], $0x200, $0x38;
	[tilespmem:$0x4E00] =	vst v63  }
0x21c: {  	_ =	swait.ge [sflag:s5], $0x200  }
0x21d: {  	[sflag:s5] =	ssyncset.done $0x0  }
0x21e: {  	s1 =	rddreg [dreg:$0x10];
	[sflag:s5] =	ssyncadd.s32 $0xFFFFFE00  }
0x21f: {  	[tilespmem:s23], [sflag:$0x2] =	stream.linear.gather [hbm4b:s1+s2], $0x200, $0x38;
	[tilespmem:$0x4E00] =	vst v63  }
0x220: {  	_ =	swait.ge [sflag:s5], $0x200  }
0x221: {  	[sflag:s5] =	ssyncset.done $0x0  }
0x222: {  	[sflag:s5] =	ssyncadd.s32 $0xFFFFFE00  }
0x223: {  	[tilespmem:s26], [sflag:$0x1] =	stream.indirect.gather [hbm4b:s20+s28], $0x1, s2, s28, $0xb8;
	[tilespmem:$0x4E00] =	vst v63  }
0x224: {  	s10 =	sld [smem:$0x7ED]  }
0x225: {  	[tilespmem:s25], [sflag:$0x1] =	stream.indirect.gather [hbm4b:s18+s28], $0x1, s2, s28, $0xb8;
	[tilespmem:$0x4E00] =	vst v63  }
0x226: {  	s1 =	sld [smem:$0x7F0]  }
0x227: {  	[tilespmem:s24], [sflag:$0x1] =	stream.indirect.gather [hbm4b:s19+s28], $0x1, s29, s28, $0xb8;
	[tilespmem:$0x4E00] =	vst v63  }
0x228: {  	s29 =	sld [smem:$0x7EE]  }
0x229: {  	[tilespmem:s10], [sflag:$0x1] =	stream.indirect.gather [hbm4b:s20+s28], $0x1, s28, s28, $0xb8;
	[tilespmem:$0x4E00] =	vst v63  }
0x22a: {  	s10 =	sld [smem:$0x7EF]  }
0x22b: {  	[tilespmem:s29], [sflag:$0x1] =	stream.indirect.gather [hbm4b:s18+s28], $0x1, s28, s28, $0xb8;
	[tilespmem:$0x4E00] =	vst v63  }
0x22c: {  	s29 =	sld [smem:$0x7F1]  }
0x22d: {  	[tilespmem:s1], [sflag:$0x1] =	stream.indirect.gather [hbm4b:s19+s28], $0x1, s10, s28, $0xb8;
	[tilespmem:$0x4E00] =	vst v63  }
0x22e: {  	s1 =	sld [smem:$0x7F2]  }
0x22f: {  	s10 =	sld [smem:$0x7F4]  }
0x230: {  	[tilespmem:s29], [sflag:$0x1] =	stream.indirect.gather [hbm4b:s20+s28], $0x1, s31, s28, $0xb8;
	[tilespmem:$0x4E00] =	vst v63  }
0x231: {  	s29 =	sld [smem:$0x7F3]  }
0x232: {  	[tilespmem:s1], [sflag:$0x1] =	stream.indirect.gather [hbm4b:s18+s28], $0x1, s31, s28, $0xb8;
	[tilespmem:$0x4E00] =	vst v63  }
0x233: {  	s31 =	sld [smem:$0x7F5]  }
0x234: {  	[tilespmem:s10], [sflag:$0x1] =	stream.indirect.gather [hbm4b:s19+s28], $0x1, s29, s28, $0xb8;
	[tilespmem:$0x4E00] =	vst v63  }
0x235: {  	_ = 	snop  }
0x236: {  	[tilespmem:s31], [sflag:$0x1] =	stream.indirect.gather [hbm4b:s20+s28], $0x1, s30, s28, $0xb8;
	[tilespmem:$0x4E00] =	vst v63  }
0x237: {  	s20 =	sld [smem:$0x7F6]  }
0x238: {  	s29 =	sld [smem:$0x7F8]  }
0x239: {  	s31 =	sld [smem:$0x7F7]  }
0x23a: {  	[tilespmem:s20], [sflag:$0x1] =	stream.indirect.gather [hbm4b:s18+s28], $0x1, s30, s28, $0xb8;
	[tilespmem:$0x4E00] =	vst v63  }
0x23b: {  	_ = 	snop  }
0x23c: {  	[tilespmem:s29], [sflag:$0x1] =	stream.indirect.gather [hbm4b:s19+s28], $0x1, s31, s28, $0xb8;
	[tilespmem:$0x4E00] =	vst v63  }
0x23d: {  	_ =	swait.ge [sflag:s6], $0x80  }
0x23e: {  	[sflag:s6] =	ssyncset.done $0x0  }
0x23f: {  	[sflag:s6] =	ssyncadd.s32 $0xFFFFFF80  }
0x240: {  	_ =	swait.ge [sflag:s6], $0x80  }
0x241: {  	[sflag:s6] =	ssyncset.done $0x0  }
0x242: {  	[sflag:s6] =	ssyncadd.s32 $0xFFFFFF80  }
0x243: {  	_ =	swait.ge [sflag:s6], $0x80  }
0x244: {  	[sflag:s6] =	ssyncset.done $0x0  }
0x245: {  	[sflag:s6] =	ssyncadd.s32 $0xFFFFFF80  }
0x246: {  	_ =	swait.ge [sflag:s6], $0x80  }
0x247: {  	[sflag:s6] =	ssyncset.done $0x0  }
0x248: {  	[sflag:s6] =	ssyncadd.s32 $0xFFFFFF80  }
0x249: {  	_ =	swait.ge [sflag:s6], $0x80  }
0x24a: {  	[sflag:s6] =	ssyncset.done $0x0  }
0x24b: {  	[sflag:s6] =	ssyncadd.s32 $0xFFFFFF80  }
0x24c: {  	_ =	swait.ge [sflag:s6], $0x80  }
0x24d: {  	[sflag:s6] =	ssyncset.done $0x0  }
0x24e: {  	[sflag:s6] =	ssyncadd.s32 $0xFFFFFF80  }
0x24f: {  	_ =	swait.ge [sflag:s6], $0x80  }
0x250: {  	[sflag:s6] =	ssyncset.done $0x0  }
0x251: {  	[sflag:s6] =	ssyncadd.s32 $0xFFFFFF80  }
0x252: {  	_ =	swait.ge [sflag:s6], $0x80  }
0x253: {  	[sflag:s6] =	ssyncset.done $0x0  }
0x254: {  	[sflag:s6] =	ssyncadd.s32 $0xFFFFFF80  }
0x255: {  	_ =	swait.ge [sflag:s6], $0x80  }
0x256: {  	[sflag:s6] =	ssyncset.done $0x0  }
0x257: {  	[sflag:s6] =	ssyncadd.s32 $0xFFFFFF80  }
0x258: {  	_ =	swait.ge [sflag:s6], $0x80  }
0x259: {  	[sflag:s6] =	ssyncset.done $0x0  }
0x25a: {  	[sflag:s6] =	ssyncadd.s32 $0xFFFFFF80  }
0x25b: {  	_ =	swait.ge [sflag:s6], $0x80  }
0x25c: {  	[sflag:s6] =	ssyncset.done $0x0  }
0x25d: {  	[sflag:s6] =	ssyncadd.s32 $0xFFFFFF80  }
0x25e: {  	_ =	swait.ge [sflag:s6], $0x80  }
0x25f: {  	[sflag:s6] =	ssyncset.done $0x0  }
0x260: {  	s18 =	rddreg [dreg:$0x11];
	[sflag:s6] =	ssyncadd.s32 $0xFFFFFF80  }
0x261: {  	[hbm4b:s18+s2] =	stream.linear.scatter [tilespmem:s26], [sflag:$0x2], $0x200, $0x38;
	[tilespmem:$0x4E00] =	vst v63  }
0x262: {  	_ =	swait.ge [sflag:s5], $0x200  }
0x263: {  	[sflag:s5] =	ssyncset.done $0x0  }
0x264: {  	s19 =	rddreg [dreg:$0x12];
	[sflag:s5] =	ssyncadd.s32 $0xFFFFFE00  }
0x265: {  	[hbm4b:s19+s2] =	stream.linear.scatter [tilespmem:s25], [sflag:$0x2], $0x200, $0x38;
	[tilespmem:$0x4E00] =	vst v63  }
0x266: {  	_ =	swait.ge [sflag:s5], $0x200  }
0x267: {  	[sflag:s5] =	ssyncset.done $0x0  }
0x268: {  	s20 =	rddreg [dreg:$0x13];
	[sflag:s5] =	ssyncadd.s32 $0xFFFFFE00  }
0x269: {  	[hbm4b:s20+s2] =	stream.linear.scatter [tilespmem:s24], [sflag:$0x2], $0x200, $0x38;
	[tilespmem:$0x4E00] =	vst v63  }
0x26a: {  	_ =	swait.ge [sflag:s5], $0x200  }
0x26b: {  	[sflag:s5] =	ssyncset.done $0x0  }
0x26c: {  	[sflag:s5] =	ssyncadd.s32 $0xFFFFFE00  }
0x26d: {  	[tilespmem:s8], [sflag:$0x1] =	stream.indirect.gather [hbm4b:s3+s9], $0x80, s22, s9, $0xb8;
	[tilespmem:$0x4E00] =	vst v63  }
0x26e: {  	_ = 	snop  }
0x26f: {  	[tilespmem:s7], [sflag:$0x1] =	stream.indirect.gather [hbm4b:s4+s9], $0x80, s23, s9, $0xb8;
	[tilespmem:$0x4E00] =	vst v63  }
0x270: {  	_ =	swait.ge [sflag:s6], $0x2000  }
0x271: {  	[sflag:s6] =	ssyncset.done $0x0  }
0x272: {  	[sflag:s6] =	ssyncadd.s32 $0xFFFFE000  }
0x273: {  	_ =	swait.ge [sflag:s6], $0x2000  }
0x274: {  	[sflag:s6] =	ssyncset.done $0x0  }
0x275: {  	s23 =	rddreg [dreg:$0x14];
	[sflag:s6] =	ssyncadd.s32 $0xFFFFE000  }
0x276: {  	[hbm4b:s23+s2] =	stream.linear.scatter [tilespmem:s8], [sflag:$0x2], $0x2000, $0x38;
	[tilespmem:$0x4E00] =	vst v63  }
0x277: {  	_ =	swait.ge [sflag:s5], $0x2000  }
0x278: {  	[sflag:s5] =	ssyncset.done $0x0  }
0x279: {  	s24 =	rddreg [dreg:$0x15];
	[sflag:s5] =	ssyncadd.s32 $0xFFFFE000  }
0x27a: {  	[hbm4b:s24+s2] =	stream.linear.scatter [tilespmem:s7], [sflag:$0x2], $0x2000, $0x38;
	[tilespmem:$0x4E00] =	vst v63  }
0x27b: {  	_ =	swait.ge [sflag:s5], $0x2000  }
0x27c: {  	s25 =	sld [smem:$0x7F9]  }
0x27d: {  	[sflag:s5] =	ssyncset.done $0x0  }
0x27e: {  	s26 =	sld [smem:$0x7FA];
	[sflag:s5] =	ssyncadd.s32 $0xFFFFE000  }
0x27f: {  	[tilespmem:s8], [sflag:$0x1] =	stream.indirect.gather [hbm4b:s3+s9], $0x80, s25, s9, $0xb8;
	[tilespmem:$0x4E00] =	vst v63  }
0x280: {  	_ = 	snop  }
0x281: {  	[tilespmem:s7], [sflag:$0x1] =	stream.indirect.gather [hbm4b:s4+s9], $0x80, s26, s9, $0xb8;
	[tilespmem:$0x4E00] =	vst v63  }
0x282: {  	_ =	swait.ge [sflag:s6], $0x2000  }
0x283: {  	[sflag:s6] =	ssyncset.done $0x0  }
0x284: {  	[sflag:s6] =	ssyncadd.s32 $0xFFFFE000  }
0x285: {  	_ =	swait.ge [sflag:s6], $0x2000  }
0x286: {  	[sflag:s6] =	ssyncset.done $0x0  }
0x287: {  	s28 =	rddreg [dreg:$0x16];
	[sflag:s6] =	ssyncadd.s32 $0xFFFFE000  }
0x288: {  	[hbm4b:s28+s2] =	stream.linear.scatter [tilespmem:s8], [sflag:$0x2], $0x2000, $0x38;
	[tilespmem:$0x4E00] =	vst v63  }
0x289: {  	_ =	swait.ge [sflag:s5], $0x2000  }
0x28a: {  	[sflag:s5] =	ssyncset.done $0x0  }
0x28b: {  	s29 =	rddreg [dreg:$0x17];
	[sflag:s5] =	ssyncadd.s32 $0xFFFFE000  }
0x28c: {  	[hbm4b:s29+s2] =	stream.linear.scatter [tilespmem:s7], [sflag:$0x2], $0x2000, $0x38;
	[tilespmem:$0x4E00] =	vst v63  }
0x28d: {  	_ =	swait.ge [sflag:s5], $0x2000  }
0x28e: {  	s30 =	sld [smem:$0x7FB]  }
0x28f: {  	[sflag:s5] =	ssyncset.done $0x0  }
0x290: {  	s31 =	sld [smem:$0x7FC];
	[sflag:s5] =	ssyncadd.s32 $0xFFFFE000  }
0x291: {  	[tilespmem:s8], [sflag:$0x1] =	stream.indirect.gather [hbm4b:s3+s9], $0x80, s30, s9, $0xb8;
	[tilespmem:$0x4E00] =	vst v63  }
0x292: {  	_ = 	snop  }
0x293: {  	[tilespmem:s7], [sflag:$0x1] =	stream.indirect.gather [hbm4b:s4+s9], $0x80, s31, s9, $0xb8;
	[tilespmem:$0x4E00] =	vst v63  }
0x294: {  	_ =	swait.ge [sflag:s6], $0x2000  }
0x295: {  	[sflag:s6] =	ssyncset.done $0x0  }
0x296: {  	[sflag:s6] =	ssyncadd.s32 $0xFFFFE000  }
0x297: {  	_ =	swait.ge [sflag:s6], $0x2000  }
0x298: {  	[sflag:s6] =	ssyncset.done $0x0  }
0x299: {  	s1 =	rddreg [dreg:$0x18];
	[sflag:s6] =	ssyncadd.s32 $0xFFFFE000  }
0x29a: {  	[hbm4b:s1+s2] =	stream.linear.scatter [tilespmem:s8], [sflag:$0x2], $0x2000, $0x38;
	[tilespmem:$0x4E00] =	vst v63  }
0x29b: {  	_ =	swait.ge [sflag:s5], $0x2000  }
0x29c: {  	[sflag:s5] =	ssyncset.done $0x0  }
0x29d: {  	s10 =	rddreg [dreg:$0x19];
	[sflag:s5] =	ssyncadd.s32 $0xFFFFE000  }
0x29e: {  	[hbm4b:s10+s2] =	stream.linear.scatter [tilespmem:s7], [sflag:$0x2], $0x2000, $0x38;
	[tilespmem:$0x4E00] =	vst v63  }
0x29f: {  	_ =	swait.ge [sflag:s5], $0x2000  }
0x2a0: {  	s18 =	sld [smem:$0x7FD]  }
0x2a1: {  	[sflag:s5] =	ssyncset.done $0x0  }
0x2a2: {  	[sflag:s5] =	ssyncadd.s32 $0xFFFFE000  }
0x2a3: {  	[tilespmem:s8], [sflag:$0x1] =	stream.indirect.gather [hbm4b:s3+s9], $0x80, s18, s9, $0xb8;
	[tilespmem:$0x4E00] =	vst v63  }
0x2a4: {  	_ = 	snop  }
0x2a5: {  	[tilespmem:s7], [sflag:$0x1] =	stream.indirect.gather [hbm4b:s4+s9], $0x80, s14, s9, $0xb8;
	[tilespmem:$0x4E00] =	vst v63  }
0x2a6: {  	_ =	swait.ge [sflag:s6], $0x2000  }
0x2a7: {  	[sflag:s6] =	ssyncset.done $0x0  }
0x2a8: {  	[sflag:s6] =	ssyncadd.s32 $0xFFFFE000  }
0x2a9: {  	_ =	swait.ge [sflag:s6], $0x2000  }
0x2aa: {  	[sflag:s6] =	ssyncset.done $0x0  }
0x2ab: {  	s19 =	rddreg [dreg:$0x1a];
	[sflag:s6] =	ssyncadd.s32 $0xFFFFE000  }
0x2ac: {  	[hbm4b:s19+s2] =	stream.linear.scatter [tilespmem:s8], [sflag:$0x2], $0x2000, $0x38;
	[tilespmem:$0x4E00] =	vst v63  }
0x2ad: {  	_ =	swait.ge [sflag:s5], $0x2000  }
0x2ae: {  	[sflag:s5] =	ssyncset.done $0x0  }
0x2af: {  	s20 =	rddreg [dreg:$0x1b];
	[sflag:s5] =	ssyncadd.s32 $0xFFFFE000  }
0x2b0: {  	[hbm4b:s20+s2] =	stream.linear.scatter [tilespmem:s7], [sflag:$0x2], $0x2000, $0x38;
	[tilespmem:$0x4E00] =	vst v63  }
0x2b1: {  	_ =	swait.ge [sflag:s5], $0x2000  }
0x2b2: {  	[sflag:s5] =	ssyncset.done $0x0  }
0x2b3: {  	[sflag:s5] =	ssyncadd.s32 $0xFFFFE000  }
0x2b4: {  	[tilespmem:s8], [sflag:$0x1] =	stream.indirect.gather [hbm4b:s3+s9], $0x80, s17, s9, $0xb8;
	[tilespmem:$0x4E00] =	vst v63  }
0x2b5: {  	_ = 	snop  }
0x2b6: {  	[tilespmem:s7], [sflag:$0x1] =	stream.indirect.gather [hbm4b:s4+s9], $0x80, s21, s9, $0xb8;
	[tilespmem:$0x4E00] =	vst v63  }
0x2b7: {  	_ =	swait.ge [sflag:s6], $0x2000  }
0x2b8: {  	[sflag:s6] =	ssyncset.done $0x0  }
0x2b9: {  	[sflag:s6] =	ssyncadd.s32 $0xFFFFE000  }
0x2ba: {  	_ =	swait.ge [sflag:s6], $0x2000  }
0x2bb: {  	[sflag:s6] =	ssyncset.done $0x0  }
0x2bc: {  	s21 =	rddreg [dreg:$0x1c];
	[sflag:s6] =	ssyncadd.s32 $0xFFFFE000  }
0x2bd: {  	[hbm4b:s21+s2] =	stream.linear.scatter [tilespmem:s8], [sflag:$0x2], $0x2000, $0x38;
	[tilespmem:$0x4E00] =	vst v63  }
0x2be: {  	_ =	swait.ge [sflag:s5], $0x2000  }
0x2bf: {  	[sflag:s5] =	ssyncset.done $0x0  }
0x2c0: {  	s22 =	rddreg [dreg:$0x1d];
	[sflag:s5] =	ssyncadd.s32 $0xFFFFE000  }
0x2c1: {  	[hbm4b:s22+s2] =	stream.linear.scatter [tilespmem:s7], [sflag:$0x2], $0x2000, $0x38;
	[tilespmem:$0x4E00] =	vst v63  }
0x2c2: {  	_ =	swait.ge [sflag:s5], $0x2000  }
0x2c3: {  	[sflag:s5] =	ssyncset.done $0x0  }
0x2c4: {  	[sflag:s5] =	ssyncadd.s32 $0xFFFFE000  }
0x2c5: {  	[tilespmem:s8], [sflag:$0x1] =	stream.indirect.gather [hbm4b:s3+s9], $0x80, s15, s9, $0xb8;
	[tilespmem:$0x4E00] =	vst v63  }
0x2c6: {  	_ = 	snop  }
0x2c7: {  	[tilespmem:s7], [sflag:$0x1] =	stream.indirect.gather [hbm4b:s4+s9], $0x80, s16, s9, $0xb8;
	[tilespmem:$0x4E00] =	vst v63  }
0x2c8: {  	_ =	swait.ge [sflag:s6], $0x2000  }
0x2c9: {  	[sflag:s6] =	ssyncset.done $0x0  }
0x2ca: {  	[sflag:s6] =	ssyncadd.s32 $0xFFFFE000  }
0x2cb: {  	_ =	swait.ge [sflag:s6], $0x2000  }
0x2cc: {  	[sflag:s6] =	ssyncset.done $0x0  }
0x2cd: {  	s23 =	rddreg [dreg:$0x1e];
	[sflag:s6] =	ssyncadd.s32 $0xFFFFE000  }
0x2ce: {  	[hbm4b:s23+s2] =	stream.linear.scatter [tilespmem:s8], [sflag:$0x2], $0x2000, $0x38;
	[tilespmem:$0x4E00] =	vst v63  }
0x2cf: {  	_ =	swait.ge [sflag:s5], $0x2000  }
0x2d0: {  	[sflag:s5] =	ssyncset.done $0x0  }
0x2d1: {  	s24 =	rddreg [dreg:$0x1f];
	[sflag:s5] =	ssyncadd.s32 $0xFFFFE000  }
0x2d2: {  	[hbm4b:s24+s2] =	stream.linear.scatter [tilespmem:s7], [sflag:$0x2], $0x2000, $0x38;
	[tilespmem:$0x4E00] =	vst v63  }
0x2d3: {  	_ =	swait.ge [sflag:s5], $0x2000  }
0x2d4: {  	[sflag:s5] =	ssyncset.done $0x0  }
0x2d5: {  	s25 =	simm.s32 $0x580;
	[sflag:s5] =	ssyncadd.s32 $0xFFFFE000  }
0x2d6: {  	[tilespmem:s8], [sflag:$0x1] =	stream.indirect.gather [hbm4b:s3+s9], $0x80, s25, s9, $0xb8;
	[tilespmem:$0x4E00] =	vst v63  }
0x2d7: {  	s26 =	simm.s32 $0x780  }
0x2d8: {  	[tilespmem:s7], [sflag:$0x1] =	stream.indirect.gather [hbm4b:s4+s9], $0x80, s26, s9, $0xb8;
	[tilespmem:$0x4E00] =	vst v63  }
0x2d9: {  	_ =	swait.ge [sflag:s6], $0x2000  }
0x2da: {  	[sflag:s6] =	ssyncset.done $0x0  }
0x2db: {  	[sflag:s6] =	ssyncadd.s32 $0xFFFFE000  }
0x2dc: {  	_ =	swait.ge [sflag:s6], $0x2000  }
0x2dd: {  	s28 =	sld [smem:$0x7E9]  }
0x2de: {  	[sflag:s6] =	ssyncset.done $0x0  }
0x2df: {  	[sflag:s6] =	ssyncadd.s32 $0xFFFFE000  }
0x2e0: {  	[hbm4b:s28+s2] =	stream.linear.scatter [tilespmem:s8], [sflag:$0x2], $0x2000, $0x38;
	[tilespmem:$0x4E00] =	vst v63  }
0x2e1: {  	_ =	swait.ge [sflag:s5], $0x2000  }
0x2e2: {  	s29 =	sld [smem:$0x7EA]  }
0x2e3: {  	[sflag:s5] =	ssyncset.done $0x0  }
0x2e4: {  	[sflag:s5] =	ssyncadd.s32 $0xFFFFE000  }
0x2e5: {  	[hbm4b:s29+s2] =	stream.linear.scatter [tilespmem:s7], [sflag:$0x2], $0x2000, $0x38;
	[tilespmem:$0x4E00] =	vst v63  }
0x2e6: {  	_ =	swait.ge [sflag:s5], $0x2000  }
0x2e7: {  	[sflag:s5] =	ssyncset.done $0x0  }
0x2e8: {  	[sflag:s5] =	ssyncadd.s32 $0xFFFFE000  }
0x2e9: {  	[tilespmem:s8], [sflag:$0x1] =	stream.indirect.gather [hbm4b:s3+s9], $0x80, s11, s9, $0xb8;
	[tilespmem:$0x4E00] =	vst v63  }
0x2ea: {  	_ = 	snop  }
0x2eb: {  	[tilespmem:s7], [sflag:$0x1] =	stream.indirect.gather [hbm4b:s4+s9], $0x80, s12, s9, $0xb8;
	[tilespmem:$0x4E00] =	vst v63  }
0x2ec: {  	_ =	swait.ge [sflag:s6], $0x2000  }
0x2ed: {  	[sflag:s6] =	ssyncset.done $0x0  }
0x2ee: {  	[sflag:s6] =	ssyncadd.s32 $0xFFFFE000  }
0x2ef: {  	_ =	swait.ge [sflag:s6], $0x2000  }
0x2f0: {  	s30 =	sld [smem:$0x7EB]  }
0x2f1: {  	[sflag:s6] =	ssyncset.done $0x0  }
0x2f2: {  	[sflag:s6] =	ssyncadd.s32 $0xFFFFE000  }
0x2f3: {  	[hbm4b:s30+s2] =	stream.linear.scatter [tilespmem:s8], [sflag:$0x2], $0x2000, $0x38;
	[tilespmem:$0x4E00] =	vst v63  }
0x2f4: {  	_ =	swait.ge [sflag:s5], $0x2000  }
0x2f5: {  	s31 =	sld [smem:$0x7EC]  }
0x2f6: {  	[sflag:s5] =	ssyncset.done $0x0  }
0x2f7: {  	[sflag:s5] =	ssyncadd.s32 $0xFFFFE000  }
0x2f8: {  	[hbm4b:s31+s2] =	stream.linear.scatter [tilespmem:s7], [sflag:$0x2], $0x2000, $0x38;
	[tilespmem:$0x4E00] =	vst v63  }
0x2f9: {  	_ =	swait.ge [sflag:s5], $0x2000  }
0x2fa: {  	[sflag:s5] =	ssyncset.done $0x0  }
0x2fb: {  	[sflag:s5] =	ssyncadd.s32 $0xFFFFE000  }
0x2fc: {  	_ =	sfence.sel $0x180000  }
0x2fd: {  	[bflag:$0x0] =	sbarrier.arrive $0xFFFF  }
0x2fe: {  	_ =	strace $0x90000047  }
0x2ff: {  	[bflag:$0x2] =	sbarrier.arrive $0xFFFF  }
0x300: {  	p0 =	sne.s32 s13, $0x0;
	s0 =	rddreg [dreg:$0xc]  }
0x301: {  	s0 =	sadd.s32 @!p0 $0x100000, s0  }
0x302: {  	[sflag:s0] =	ssyncadd.tile.s32 @!p0 $0x1;
	_ =	shalt  }
.LBB2_1:
.Ltmp3:
0x303: {  	(pc) =	sbr.rel .LBB2_6-.Ltmp3, $3  }
0x304: {  	_ =	sdelay $0x1  }
0x305: {  	s14 =	simm.s32 $0x6C0;
	s21 =	simm.s32 $0x700  }
0x306: {  	s17 =	simm.s32 $0x500;
	s16 =	simm.s32 $0x740;
	s15 =	simm.s32 $0x540  }
.LBB2_3:
.Ltmp4:
0x307: {  	(pc) =	sbr.rel .LBB2_6-.Ltmp4, $3  }
0x308: {  	_ =	sdelay $0x1  }
0x309: {  	s14 =	simm.s32 $0x6C0;
	s21 =	simm.s32 $0x700;
	s17 =	simm.s32 $0x500  }
0x30a: {  	s16 =	simm.s32 $0x740;
	s15 =	simm.s32 $0x540;
	s13 =	stileid.u32  }
.Lfunc_end2:
_tile_overlayer_lowered:
.L_overlay_start_2:
0x30b: {  	(tag) =	ssettag $0x2  }
0x30c: {  	s0 =	rddreg [dreg:$0x0];
	s2 =	stileid.u32  }
0x30d: {  	s1 =	rddreg [dreg:$0x1];
	p0 =	sne.s32 s2, $0x0  }
0x30e: {  	s3 =	rddreg [dreg:$0x2];
	[bflag:$0x3] =	sbarrier.arrive $0xFFFF;
	s2 =	simm.s32 @!p0 $0x1C02  }
0x30f: {  	[timem:s3], [sflag:s2] =	dma.local @!p0 [hbm:s0], s1  }
0x310: {  	s0 =	simm.s32 @!p0 $0x2  }
0x311: {  	_ =	swait.ge @!p0 [sflag:s0], s1  }
0x312: {  	s1 =	ssub.s32 @!p0 $0x0, s1;
	[sflag:s0] =	ssyncset.done @!p0 $0x0  }
0x313: {  	[sflag:s0] =	ssyncadd.s32 @!p0 s1  }
0x314: {  	[bflag:$0x3] =	sbarrier.arrive $0xFFFF  }
0x315: {  	_ =	shalt  }

</sc_bundles>
